<compile_context>
chip_gen: v7x
topology: tpu7x:2x2x1
jax: 0.10.2.dev20260603
libtpu: 0.0.44.dev20260713+nightly
codegen_flags: <defaults>
</compile_context>

<pallas_src>
import functools
import math

import jax
import jax.numpy as jnp
from jax import lax
from jax.experimental import pallas as pl
from jax.experimental.pallas import tpu as pltpu
from jax.experimental.pallas import tpu_sc as plsc

N_NEURONS = 512
SEQ_LEN = 512
SIGMA = 2.0
N_EVENTS = 65536
B_SZ = 16
N_ROWS = B_SZ * N_NEURONS
FLAT = N_ROWS * SEQ_LEN

NC = 2
NS = 16
NW = NC * NS
PASSES = 2
HWORDS = (N_ROWS // NW // PASSES) * SEQ_LEN
KCHUNK = 16384
EV_PER_TILE = N_EVENTS // NS


@functools.cache
def _build_sc_hist():
    mesh = plsc.VectorSubcoreMesh(
        core_axis_name="c", subcore_axis_name="s", num_cores=NC, num_subcores=NS
    )

    @functools.partial(
        pl.kernel,
        out_type=(
            jax.ShapeDtypeStruct((FLAT,), jnp.float32),
            jax.ShapeDtypeStruct((NC * N_EVENTS,), jnp.int32),
        ),
        mesh=mesh,
        scratch_types=[
            pltpu.VMEM((2 * KCHUNK,), jnp.int32),
            pltpu.VMEM((HWORDS + 16,), jnp.float32),
            pltpu.VMEM((EV_PER_TILE,), jnp.float32),
            pltpu.VMEM((EV_PER_TILE,), jnp.float32),
            pltpu.VMEM((EV_PER_TILE,), jnp.int32),
            pltpu.SemaphoreType.DMA,
            pltpu.SemaphoreType.DMA,
            pltpu.SemaphoreType.DMA,
            pltpu.SemaphoreType.DMA,
            pltpu.SemaphoreType.DMA,
            pltpu.SemaphoreType.DMA,
        ],
        compiler_params=pltpu.CompilerParams(needs_layout_passes=False),
    )
    def _sc_hist(
        t_hbm, n_hbm, b_hbm, counts_hbm, keys_hbm,
        kbuf, hist, tbuf, nbuf, bbuf, sem0, sem1, w0, w1, w2, w3,
    ):
        cid = lax.axis_index("c")
        sid = lax.axis_index("s")
        wid = sid * NC + cid
        zeros16 = jnp.zeros((16,), jnp.float32)
        ones16 = jnp.ones((16,), jnp.float32)
        trash = lax.iota(jnp.uint32, 16) + jnp.uint32(HWORDS)
        sems = (sem0, sem1)
        wsems = (w0, w1, w2, w3)
        nch = N_EVENTS // KCHUNK
        NQ = 4
        QW = HWORDS // NQ
        whandles = [None] * NQ

        e0 = sid * EV_PER_TILE
        kb = cid * N_EVENTS
        pltpu.sync_copy(t_hbm.at[pl.ds(e0, EV_PER_TILE)], tbuf)
        pltpu.sync_copy(n_hbm.at[pl.ds(e0, EV_PER_TILE)], nbuf)
        pltpu.sync_copy(b_hbm.at[pl.ds(e0, EV_PER_TILE)], bbuf)

        @plsc.parallel_loop(0, EV_PER_TILE // 16, unroll=8)
        def _mkkeys(j):
            ti = tbuf[pl.ds(j * 16, 16)].astype(jnp.int32)
            ni = nbuf[pl.ds(j * 16, 16)].astype(jnp.int32)
            bi = bbuf[pl.ds(j * 16, 16)]
            kbuf[pl.ds(j * 16, 16)] = (
                (ti >> 7) * (N_ROWS * 128)
                + (bi * N_NEURONS + ni) * 128
                + (ti & 127)
            )

        ka = pltpu.async_copy(
            kbuf.at[pl.ds(0, EV_PER_TILE)],
            keys_hbm.at[pl.ds(kb + e0, EV_PER_TILE)],
            w0,
        )

        @plsc.parallel_loop(0, HWORDS // 16, unroll=8)
        def _zero0(i):
            hist[pl.ds(i * 16, 16)] = zeros16

        ka.wait()
        plsc.subcore_barrier()

        for p in range(PASSES):
            lo = (wid * PASSES + p) * HWORDS

            handles = [
                pltpu.async_copy(
                    keys_hbm.at[pl.ds(kb, KCHUNK)], kbuf.at[pl.ds(0, KCHUNK)], sem0
                ),
                None,
            ]

            if p > 0:
                for q in range(NQ):
                    whandles[q].wait()
                    qbase = q * QW

                    @plsc.parallel_loop(0, QW // 16, unroll=8)
                    def _zero(i):
                        hist[pl.ds(qbase + i * 16, 16)] = zeros16

            for c in range(nch):
                if c + 1 < nch:
                    nb = (c + 1) % 2
                    handles[nb] = pltpu.async_copy(
                        keys_hbm.at[pl.ds(kb + (c + 1) * KCHUNK, KCHUNK)],
                        kbuf.at[pl.ds(nb * KCHUNK, KCHUNK)],
                        sems[nb],
                    )
                handles[c % 2].wait()
                base = (c % 2) * KCHUNK

                @plsc.parallel_loop(0, KCHUNK // 16, unroll=16)
                def _scan(j):
                    k16 = kbuf[pl.ds(base + j * 16, 16)]
                    d = plsc.bitcast(k16 - lo, jnp.uint32)
                    idx = plsc.bitcast(jnp.minimum(d, trash), jnp.int32)
                    plsc.addupdate_scatter(hist, [idx], ones16)

            if p + 1 < PASSES:
                for q in range(NQ):
                    whandles[q] = pltpu.async_copy(
                        hist.at[pl.ds(q * QW, QW)],
                        counts_hbm.at[pl.ds(lo + q * QW, QW)],
                        wsems[q],
                    )
            else:
                pltpu.sync_copy(
                    hist.at[pl.ds(0, HWORDS)], counts_hbm.at[pl.ds(lo, HWORDS)]
                )

    return _sc_hist


def _mm_body(c_ref, o_ref):
    i = lax.broadcasted_iota(jnp.int32, (160, 128), 0)
    c = lax.broadcasted_iota(jnp.int32, (160, 128), 1)
    d = jnp.where(
        i < 128,
        c - i,
        jnp.where(i < 144, c + 16 - (i - 128), c - 128 - (i - 144)),
    ).astype(jnp.float32) * (1.0 / SIGMA)
    g = jnp.exp(-0.5 * d * d) * (1.0 / (SIGMA * math.sqrt(2.0 * math.pi)))
    gd = g[0:128, :]
    ge1 = g[128:144, :]
    ge2 = g[144:160, :]
    for sb in range(4):
        acc = jnp.dot(c_ref[sb], gd, preferred_element_type=jnp.float32)
        if sb > 0:
            acc += jnp.dot(
                c_ref[sb - 1][:, 112:128], ge1, preferred_element_type=jnp.float32
            )
        if sb < 3:
            acc += jnp.dot(
                c_ref[sb + 1][:, 0:16], ge2, preferred_element_type=jnp.float32
            )
        o_ref[:, sb * 128 : (sb + 1) * 128] = acc


_MM_ROWS = 2048
_mm = pl.pallas_call(
    _mm_body,
    grid=(N_ROWS // _MM_ROWS,),
    in_specs=[
        pl.BlockSpec((4, _MM_ROWS, 128), lambda i: (0, i, 0)),
    ],
    out_specs=pl.BlockSpec((_MM_ROWS, SEQ_LEN), lambda i: (i, 0)),
    out_shape=jax.ShapeDtypeStruct((N_ROWS, SEQ_LEN), jnp.float32),
)


def kernel(events, batch_idx):
    t_flat = events[:, 0]
    n_flat = events[:, 1]
    counts, _ = _build_sc_hist()(t_flat, n_flat, batch_idx)
    out = _mm(counts.reshape(4, N_ROWS, 128))
    return out.reshape(B_SZ, N_NEURONS, SEQ_LEN)

# --- scband reference (transcript-rebuilt; emitter-appended) ---
"""Pipeline reference for scband-spike-encoder-3238405341757 (READ-ONLY COPY).

The authoritative reference and input builder live on the scoring server;
editing this copy changes nothing except your own understanding.
"""

import jax, jax.numpy as jnp
import numpy as np
import math

N_NEURONS = 512
SEQ_LEN = 512
SIGMA = 2.0
N_EVENTS = 65536
B = 16


def setup_inputs(seed: int = 0) -> dict:
    key = jax.random.key(seed)
    k1, k2 = jax.random.split(key)
    # events[:, 0] = spike times in [0, SEQ_LEN), events[:, 1] = neuron ids in [0, N_NEURONS)
    events = jax.random.randint(k1, (N_EVENTS, 2), 0, SEQ_LEN).astype(jnp.float32)
    batch_idx = jax.random.randint(k2, (N_EVENTS,), 0, B, dtype=jnp.int32)
    return {"events": events, "batch_idx": batch_idx}


def reference(events, batch_idx):
    # Faithful translation of SpikeEncoder.forward
    t_axis = jnp.arange(SEQ_LEN, dtype=jnp.float32)
    # B = batch_idx.max() + 1 in torch; fixed statically to 16 here (randint(0,16) over 65536
    # samples attains 15 with overwhelming probability)
    times = events[:, 0].astype(jnp.float32)
    neurons = events[:, 1].astype(jnp.int32)
    diff = t_axis[None, :] - times[:, None]                      # [N_EVENTS, SEQ_LEN]
    kernels = jnp.exp(-0.5 * (diff / SIGMA) ** 2)
    kernels = kernels / (SIGMA * math.sqrt(2.0 * math.pi))
    linear_idx = batch_idx.astype(jnp.int32) * N_NEURONS + neurons  # [N_EVENTS]
    flat_output = jnp.zeros((B * N_NEURONS, SEQ_LEN), dtype=jnp.float32)
    # torch scatter_add_ along dim=0 with row-expanded index == row-wise add-at
    flat_output = flat_output.at[linear_idx].add(kernels)
    return flat_output.reshape(B, N_NEURONS, SEQ_LEN)

if __name__ == "__main__":
    import jax
    _d = setup_inputs()
    print(jax.jit(kernel)(*tuple(_d.values())))

</pallas_src>

<mosaic_0001>
#map = affine_map<(d0, d1) -> (0)>
module attributes {stable_mosaic.version = 14 : i64} {
  func.func @_sc_hist(%arg0: i32, %arg1: i32, %arg2: memref<65536xf32, #tpu.memory_space<hbm>>, %arg3: memref<65536xf32, #tpu.memory_space<hbm>>, %arg4: memref<65536xi32, #tpu.memory_space<hbm>>, %arg5: memref<4194304xf32, #tpu.memory_space<hbm>>, %arg6: memref<131072xi32, #tpu.memory_space<hbm>>, %arg7: memref<32768xi32, #tpu.memory_space<vmem>>, %arg8: memref<65552xf32, #tpu.memory_space<vmem>>, %arg9: memref<4096xf32, #tpu.memory_space<vmem>>, %arg10: memref<4096xf32, #tpu.memory_space<vmem>>, %arg11: memref<4096xi32, #tpu.memory_space<vmem>>, %arg12: memref<!tpu.dma_semaphore, #tpu.memory_space<semaphore_mem>>, %arg13: memref<!tpu.dma_semaphore, #tpu.memory_space<semaphore_mem>>, %arg14: memref<!tpu.dma_semaphore, #tpu.memory_space<semaphore_mem>>, %arg15: memref<!tpu.dma_semaphore, #tpu.memory_space<semaphore_mem>>, %arg16: memref<!tpu.dma_semaphore, #tpu.memory_space<semaphore_mem>>, %arg17: memref<!tpu.dma_semaphore, #tpu.memory_space<semaphore_mem>>) attributes {dimension_semantics = [#tpu.dimension_semantics<core_parallel>, #tpu.dimension_semantics<subcore_parallel>], iteration_bounds = array<i64: 2, 16>, scalar_prefetch = 0 : i64, scratch_operands = 11 : i64, tpu.core_type = #tpu.core_type<sc_vector_subcore>, window_params = [{transform_indices = #map}, {transform_indices = #map}, {transform_indices = #map}, {transform_indices = #map}, {transform_indices = #map}]} {
    %mul3A = arith.constant 2 : i32
    %mul3A_0 = arith.muli %arg1, %mul3A : i32
    %add3A = arith.addi %mul3A_0, %arg0 : i32
    %broadcast_in_dim3A = arith.constant 0.000000e+00 : f32
    %broadcast_in_dim3A_1 = vector.broadcast %broadcast_in_dim3A : f32 to vector<16xf32>
    %broadcast_in_dim3A_2 = arith.constant 1.000000e+00 : f32
    %broadcast_in_dim3A_3 = vector.broadcast %broadcast_in_dim3A_2 : f32 to vector<16xf32>
    %iota3A = tpu.iota {dimensions = array<i32: 0>} : vector<16xi32>
    %add3A_4 = arith.constant 65536 : i32
    %add3A_5 = vector.broadcast %add3A_4 : i32 to vector<16xi32>
    %add3A_6 = arith.addi %iota3A, %add3A_5 : vector<16xi32>
    %mul3A_7 = arith.constant 4096 : i32
    %mul3A_8 = arith.muli %arg1, %mul3A_7 : i32
    %mul3A_9 = arith.constant 65536 : i32
    %mul3A_10 = arith.muli %arg0, %mul3A_9 : i32
    "tpu.region"() ({
      %run_scoped3A = tpu.sem_alloc : memref<!tpu.dma_semaphore, #tpu.memory_space<semaphore_mem>>
      %dma_start3A_239 = tpu.memref_slice %arg2[%mul3A_8] : memref<65536xf32, #tpu.memory_space<hbm>> -> memref<4096xf32, #tpu.memory_space<hbm>>
      %dma_start3A_240 = tpu.memref_slice %arg2[%mul3A_8] : memref<65536xf32, #tpu.memory_space<hbm>> -> memref<4096xf32, #tpu.memory_space<hbm>>
      tpu.enqueue_dma source(%dma_start3A_240 : memref<4096xf32, #tpu.memory_space<hbm>>) target(%arg9 : memref<4096xf32, #tpu.memory_space<vmem>>) target_semaphore(%run_scoped3A : memref<!tpu.dma_semaphore, #tpu.memory_space<semaphore_mem>>)
      %dma_wait3A_241 = tpu.memref_slice %arg2[%mul3A_8] : memref<65536xf32, #tpu.memory_space<hbm>> -> memref<4096xf32, #tpu.memory_space<hbm>>
      %dma_wait3A_242 = tpu.memref_slice %arg2[%mul3A_8] : memref<65536xf32, #tpu.memory_space<hbm>> -> memref<4096xf32, #tpu.memory_space<hbm>>
      tpu.wait_dma2 semaphore(%run_scoped3A : memref<!tpu.dma_semaphore, #tpu.memory_space<semaphore_mem>>) src(%dma_wait3A_242 : memref<4096xf32, #tpu.memory_space<hbm>>) dst(%arg9 : memref<4096xf32, #tpu.memory_space<vmem>>)
      tpu.yield
    }) : () -> ()
    "tpu.region"() ({
      %run_scoped3A = tpu.sem_alloc : memref<!tpu.dma_semaphore, #tpu.memory_space<semaphore_mem>>
      %dma_start3A_239 = tpu.memref_slice %arg3[%mul3A_8] : memref<65536xf32, #tpu.memory_space<hbm>> -> memref<4096xf32, #tpu.memory_space<hbm>>
      %dma_start3A_240 = tpu.memref_slice %arg3[%mul3A_8] : memref<65536xf32, #tpu.memory_space<hbm>> -> memref<4096xf32, #tpu.memory_space<hbm>>
      tpu.enqueue_dma source(%dma_start3A_240 : memref<4096xf32, #tpu.memory_space<hbm>>) target(%arg10 : memref<4096xf32, #tpu.memory_space<vmem>>) target_semaphore(%run_scoped3A : memref<!tpu.dma_semaphore, #tpu.memory_space<semaphore_mem>>)
      %dma_wait3A_241 = tpu.memref_slice %arg3[%mul3A_8] : memref<65536xf32, #tpu.memory_space<hbm>> -> memref<4096xf32, #tpu.memory_space<hbm>>
      %dma_wait3A_242 = tpu.memref_slice %arg3[%mul3A_8] : memref<65536xf32, #tpu.memory_space<hbm>> -> memref<4096xf32, #tpu.memory_space<hbm>>
      tpu.wait_dma2 semaphore(%run_scoped3A : memref<!tpu.dma_semaphore, #tpu.memory_space<semaphore_mem>>) src(%dma_wait3A_242 : memref<4096xf32, #tpu.memory_space<hbm>>) dst(%arg10 : memref<4096xf32, #tpu.memory_space<vmem>>)
      tpu.yield
    }) : () -> ()
    "tpu.region"() ({
      %run_scoped3A = tpu.sem_alloc : memref<!tpu.dma_semaphore, #tpu.memory_space<semaphore_mem>>
      %dma_start3A_239 = tpu.memref_slice %arg4[%mul3A_8] : memref<65536xi32, #tpu.memory_space<hbm>> -> memref<4096xi32, #tpu.memory_space<hbm>>
      %dma_start3A_240 = tpu.memref_slice %arg4[%mul3A_8] : memref<65536xi32, #tpu.memory_space<hbm>> -> memref<4096xi32, #tpu.memory_space<hbm>>
      tpu.enqueue_dma source(%dma_start3A_240 : memref<4096xi32, #tpu.memory_space<hbm>>) target(%arg11 : memref<4096xi32, #tpu.memory_space<vmem>>) target_semaphore(%run_scoped3A : memref<!tpu.dma_semaphore, #tpu.memory_space<semaphore_mem>>)
      %dma_wait3A_241 = tpu.memref_slice %arg4[%mul3A_8] : memref<65536xi32, #tpu.memory_space<hbm>> -> memref<4096xi32, #tpu.memory_space<hbm>>
      %dma_wait3A_242 = tpu.memref_slice %arg4[%mul3A_8] : memref<65536xi32, #tpu.memory_space<hbm>> -> memref<4096xi32, #tpu.memory_space<hbm>>
      tpu.wait_dma2 semaphore(%run_scoped3A : memref<!tpu.dma_semaphore, #tpu.memory_space<semaphore_mem>>) src(%dma_wait3A_242 : memref<4096xi32, #tpu.memory_space<hbm>>) dst(%arg11 : memref<4096xi32, #tpu.memory_space<vmem>>)
      tpu.yield
    }) : () -> ()
    %parallel_loop3A = arith.constant 0 : i32
    %parallel_loop3A_11 = arith.constant 256 : i32
    %parallel_loop3A_12 = arith.constant 1 : i32
    scf.for %parallel_loop3A_239 = %parallel_loop3A to %parallel_loop3A_11 step %parallel_loop3A_12  : i32 {
      %parallel_loop3A_240 = arith.constant 16 : i32
      %parallel_loop3A_241 = arith.muli %parallel_loop3A_239, %parallel_loop3A_240 : i32
      %parallel_loop3A_242 = arith.index_cast %parallel_loop3A_241 : i32 to index
      %parallel_loop3A_243 = tpu.vector_load %arg9[%parallel_loop3A_242] {strides = array<i32>} : memref<4096xf32, #tpu.memory_space<vmem>>, vector<16xf32>,
      %parallel_loop3A_244 = arith.fptosi %parallel_loop3A_243 : vector<16xf32> to vector<16xi32>
      %parallel_loop3A_245 = arith.constant 16 : i32
      %parallel_loop3A_246 = arith.muli %parallel_loop3A_239, %parallel_loop3A_245 : i32
      %parallel_loop3A_247 = arith.index_cast %parallel_loop3A_246 : i32 to index
      %parallel_loop3A_248 = tpu.vector_load %arg10[%parallel_loop3A_247] {strides = array<i32>} : memref<4096xf32, #tpu.memory_space<vmem>>, vector<16xf32>,
      %parallel_loop3A_249 = arith.fptosi %parallel_loop3A_248 : vector<16xf32> to vector<16xi32>
      %parallel_loop3A_250 = arith.constant 16 : i32
      %parallel_loop3A_251 = arith.muli %parallel_loop3A_239, %parallel_loop3A_250 : i32
      %parallel_loop3A_252 = arith.index_cast %parallel_loop3A_251 : i32 to index
      %parallel_loop3A_253 = tpu.vector_load %arg11[%parallel_loop3A_252] {strides = array<i32>} : memref<4096xi32, #tpu.memory_space<vmem>>, vector<16xi32>,
      %parallel_loop3A_254 = arith.constant 7 : i32
      %parallel_loop3A_255 = vector.broadcast %parallel_loop3A_254 : i32 to vector<16xi32>
      %parallel_loop3A_256 = arith.shrsi %parallel_loop3A_244, %parallel_loop3A_255 : vector<16xi32>
      %parallel_loop3A_257 = arith.constant 1048576 : i32
      %parallel_loop3A_258 = vector.broadcast %parallel_loop3A_257 : i32 to vector<16xi32>
      %parallel_loop3A_259 = arith.muli %parallel_loop3A_256, %parallel_loop3A_258 : vector<16xi32>
      %parallel_loop3A_260 = arith.constant 512 : i32
      %parallel_loop3A_261 = vector.broadcast %parallel_loop3A_260 : i32 to vector<16xi32>
      %parallel_loop3A_262 = arith.muli %parallel_loop3A_253, %parallel_loop3A_261 : vector<16xi32>
      %parallel_loop3A_263 = arith.addi %parallel_loop3A_262, %parallel_loop3A_249 : vector<16xi32>
      %parallel_loop3A_264 = arith.constant 128 : i32
      %parallel_loop3A_265 = vector.broadcast %parallel_loop3A_264 : i32 to vector<16xi32>
      %parallel_loop3A_266 = arith.muli %parallel_loop3A_263, %parallel_loop3A_265 : vector<16xi32>
      %parallel_loop3A_267 = arith.addi %parallel_loop3A_259, %parallel_loop3A_266 : vector<16xi32>
      %parallel_loop3A_268 = arith.constant 127 : i32
      %parallel_loop3A_269 = vector.broadcast %parallel_loop3A_268 : i32 to vector<16xi32>
      %parallel_loop3A_270 = arith.andi %parallel_loop3A_244, %parallel_loop3A_269 : vector<16xi32>
      %parallel_loop3A_271 = arith.addi %parallel_loop3A_267, %parallel_loop3A_270 : vector<16xi32>
      %parallel_loop3A_272 = arith.constant 16 : i32
      %parallel_loop3A_273 = arith.muli %parallel_loop3A_239, %parallel_loop3A_272 : i32
      %parallel_loop3A_274 = arith.index_cast %parallel_loop3A_273 : i32 to index
      %parallel_loop3A_275 = tpu.vector_load %arg7[%parallel_loop3A_274] {strides = array<i32>} : memref<32768xi32, #tpu.memory_space<vmem>>, vector<16xi32>,
      tpu.vector_store %arg7[%parallel_loop3A_274], %parallel_loop3A_271 {strides = array<i32>} : memref<32768xi32, #tpu.memory_space<vmem>>, vector<16xi32>,
    } {sc.loop_unroll_factor = 8 : i64, sc.parallel_access}
    %add3A_13 = arith.addi %mul3A_10, %mul3A_8 : i32
    %dma_start3A = arith.constant 0 : i32
    %dma_start3A_14 = tpu.memref_slice %arg7[%dma_start3A] : memref<32768xi32, #tpu.memory_space<vmem>> -> memref<4096xi32, #tpu.memory_space<vmem>>
    %dma_start3A_15 = tpu.memref_slice %arg6[%add3A_13] : memref<131072xi32, #tpu.memory_space<hbm>> -> memref<4096xi32, #tpu.memory_space<hbm>>
    %dma_start3A_16 = tpu.memref_slice %arg6[%add3A_13] : memref<131072xi32, #tpu.memory_space<hbm>> -> memref<4096xi32, #tpu.memory_space<hbm>>
    %dma_start3A_17 = arith.constant 0 : i32
    %dma_start3A_18 = tpu.memref_slice %arg7[%dma_start3A_17] : memref<32768xi32, #tpu.memory_space<vmem>> -> memref<4096xi32, #tpu.memory_space<vmem>>
    tpu.enqueue_dma source(%dma_start3A_18 : memref<4096xi32, #tpu.memory_space<vmem>>) target(%dma_start3A_16 : memref<4096xi32, #tpu.memory_space<hbm>>) target_semaphore(%arg14 : memref<!tpu.dma_semaphore, #tpu.memory_space<semaphore_mem>>)
    %parallel_loop3A_19 = arith.constant 0 : i32
    %parallel_loop3A_20 = arith.constant 4096 : i32
    %parallel_loop3A_21 = arith.constant 1 : i32
    scf.for %parallel_loop3A_239 = %parallel_loop3A_19 to %parallel_loop3A_20 step %parallel_loop3A_21  : i32 {
      %parallel_loop3A_240 = arith.constant 16 : i32
      %parallel_loop3A_241 = arith.muli %parallel_loop3A_239, %parallel_loop3A_240 : i32
      %parallel_loop3A_242 = arith.index_cast %parallel_loop3A_241 : i32 to index
      %parallel_loop3A_243 = tpu.vector_load %arg8[%parallel_loop3A_242] {strides = array<i32>} : memref<65552xf32, #tpu.memory_space<vmem>>, vector<16xf32>,
      tpu.vector_store %arg8[%parallel_loop3A_242], %broadcast_in_dim3A_1 {strides = array<i32>} : memref<65552xf32, #tpu.memory_space<vmem>>, vector<16xf32>,
    } {sc.loop_unroll_factor = 8 : i64, sc.parallel_access}
    %dma_wait3A = arith.constant 0 : i32
    %dma_wait3A_22 = tpu.memref_slice %arg7[%dma_wait3A] : memref<32768xi32, #tpu.memory_space<vmem>> -> memref<4096xi32, #tpu.memory_space<vmem>>
    %dma_wait3A_23 = tpu.memref_slice %arg6[%add3A_13] : memref<131072xi32, #tpu.memory_space<hbm>> -> memref<4096xi32, #tpu.memory_space<hbm>>
    %dma_wait3A_24 = tpu.memref_slice %arg6[%add3A_13] : memref<131072xi32, #tpu.memory_space<hbm>> -> memref<4096xi32, #tpu.memory_space<hbm>>
    %dma_wait3A_25 = arith.constant 0 : i32
    %dma_wait3A_26 = tpu.memref_slice %arg7[%dma_wait3A_25] : memref<32768xi32, #tpu.memory_space<vmem>> -> memref<4096xi32, #tpu.memory_space<vmem>>
    tpu.wait_dma2 semaphore(%arg14 : memref<!tpu.dma_semaphore, #tpu.memory_space<semaphore_mem>>) src(%dma_wait3A_26 : memref<4096xi32, #tpu.memory_space<vmem>>) dst(%dma_wait3A_24 : memref<4096xi32, #tpu.memory_space<hbm>>)
    %barrier3A = arith.constant 0 : index
    tpu.barrier barrier_id(%barrier3A)
    %mul3A_27 = arith.constant 2 : i32
    %mul3A_28 = arith.muli %add3A, %mul3A_27 : i32
    %add3A_29 = arith.constant 0 : i32
    %add3A_30 = arith.addi %mul3A_28, %add3A_29 : i32
    %mul3A_31 = arith.constant 65536 : i32
    %mul3A_32 = arith.muli %add3A_30, %mul3A_31 : i32
    %dma_start3A_33 = arith.constant 0 : i32
    %dma_start3A_34 = tpu.memref_slice %arg7[%dma_start3A_33] : memref<32768xi32, #tpu.memory_space<vmem>> -> memref<16384xi32, #tpu.memory_space<vmem>>
    %dma_start3A_35 = tpu.memref_slice %arg6[%mul3A_10] : memref<131072xi32, #tpu.memory_space<hbm>> -> memref<16384xi32, #tpu.memory_space<hbm>>
    %dma_start3A_36 = arith.constant 0 : i32
    %dma_start3A_37 = tpu.memref_slice %arg7[%dma_start3A_36] : memref<32768xi32, #tpu.memory_space<vmem>> -> memref<16384xi32, #tpu.memory_space<vmem>>
    %dma_start3A_38 = tpu.memref_slice %arg6[%mul3A_10] : memref<131072xi32, #tpu.memory_space<hbm>> -> memref<16384xi32, #tpu.memory_space<hbm>>
    tpu.enqueue_dma source(%dma_start3A_38 : memref<16384xi32, #tpu.memory_space<hbm>>) target(%dma_start3A_37 : memref<16384xi32, #tpu.memory_space<vmem>>) target_semaphore(%arg12 : memref<!tpu.dma_semaphore, #tpu.memory_space<semaphore_mem>>)
    %add3A_39 = arith.constant 16384 : i32
    %add3A_40 = arith.addi %mul3A_10, %add3A_39 : i32
    %dma_start3A_41 = arith.constant 16384 : i32
    %dma_start3A_42 = tpu.memref_slice %arg7[%dma_start3A_41] : memref<32768xi32, #tpu.memory_space<vmem>> -> memref<16384xi32, #tpu.memory_space<vmem>>
    %dma_start3A_43 = tpu.memref_slice %arg6[%add3A_40] : memref<131072xi32, #tpu.memory_space<hbm>> -> memref<16384xi32, #tpu.memory_space<hbm>>
    %dma_start3A_44 = arith.constant 16384 : i32
    %dma_start3A_45 = tpu.memref_slice %arg7[%dma_start3A_44] : memref<32768xi32, #tpu.memory_space<vmem>> -> memref<16384xi32, #tpu.memory_space<vmem>>
    %dma_start3A_46 = tpu.memref_slice %arg6[%add3A_40] : memref<131072xi32, #tpu.memory_space<hbm>> -> memref<16384xi32, #tpu.memory_space<hbm>>
    tpu.enqueue_dma source(%dma_start3A_46 : memref<16384xi32, #tpu.memory_space<hbm>>) target(%dma_start3A_45 : memref<16384xi32, #tpu.memory_space<vmem>>) target_semaphore(%arg13 : memref<!tpu.dma_semaphore, #tpu.memory_space<semaphore_mem>>)
    %dma_wait3A_47 = arith.constant 0 : i32
    %dma_wait3A_48 = tpu.memref_slice %arg7[%dma_wait3A_47] : memref<32768xi32, #tpu.memory_space<vmem>> -> memref<16384xi32, #tpu.memory_space<vmem>>
    %dma_wait3A_49 = tpu.memref_slice %arg6[%mul3A_10] : memref<131072xi32, #tpu.memory_space<hbm>> -> memref<16384xi32, #tpu.memory_space<hbm>>
    %dma_wait3A_50 = arith.constant 0 : i32
    %dma_wait3A_51 = tpu.memref_slice %arg7[%dma_wait3A_50] : memref<32768xi32, #tpu.memory_space<vmem>> -> memref<16384xi32, #tpu.memory_space<vmem>>
    %dma_wait3A_52 = tpu.memref_slice %arg6[%mul3A_10] : memref<131072xi32, #tpu.memory_space<hbm>> -> memref<16384xi32, #tpu.memory_space<hbm>>
    tpu.wait_dma2 semaphore(%arg12 : memref<!tpu.dma_semaphore, #tpu.memory_space<semaphore_mem>>) src(%dma_wait3A_52 : memref<16384xi32, #tpu.memory_space<hbm>>) dst(%dma_wait3A_51 : memref<16384xi32, #tpu.memory_space<vmem>>)
    %parallel_loop3A_53 = arith.constant 0 : i32
    %parallel_loop3A_54 = arith.constant 1024 : i32
    %parallel_loop3A_55 = arith.constant 1 : i32
    scf.for %parallel_loop3A_239 = %parallel_loop3A_53 to %parallel_loop3A_54 step %parallel_loop3A_55  : i32 {
      %parallel_loop3A_240 = arith.constant 16 : i32
      %parallel_loop3A_241 = arith.muli %parallel_loop3A_239, %parallel_loop3A_240 : i32
      %parallel_loop3A_242 = arith.constant 0 : i32
      %parallel_loop3A_243 = arith.addi %parallel_loop3A_242, %parallel_loop3A_241 : i32
      %parallel_loop3A_244 = arith.index_cast %parallel_loop3A_243 : i32 to index
      %parallel_loop3A_245 = tpu.vector_load %arg7[%parallel_loop3A_244] {strides = array<i32>} : memref<32768xi32, #tpu.memory_space<vmem>>, vector<16xi32>,
      %parallel_loop3A_246 = vector.broadcast %mul3A_32 : i32 to vector<16xi32>
      %parallel_loop3A_247 = arith.subi %parallel_loop3A_245, %parallel_loop3A_246 : vector<16xi32>
      %parallel_loop3A_248 = vector.bitcast %parallel_loop3A_247 : vector<16xi32> to vector<16xi32>
      %parallel_loop3A_249 = arith.minui %parallel_loop3A_248, %add3A_6 : vector<16xi32>
      %parallel_loop3A_250 = vector.bitcast %parallel_loop3A_249 : vector<16xi32> to vector<16xi32>
      tpu.vector_store_idx %arg8[%parallel_loop3A_250], %broadcast_in_dim3A_3 {add = true} : memref<65552xf32, #tpu.memory_space<vmem>>[vector<16xi32>], vector<16xf32>,
    } {sc.loop_unroll_factor = 16 : i64, sc.parallel_access}
    %add3A_56 = arith.constant 32768 : i32
    %add3A_57 = arith.addi %mul3A_10, %add3A_56 : i32
    %dma_start3A_58 = arith.constant 0 : i32
    %dma_start3A_59 = tpu.memref_slice %arg7[%dma_start3A_58] : memref<32768xi32, #tpu.memory_space<vmem>> -> memref<16384xi32, #tpu.memory_space<vmem>>
    %dma_start3A_60 = tpu.memref_slice %arg6[%add3A_57] : memref<131072xi32, #tpu.memory_space<hbm>> -> memref<16384xi32, #tpu.memory_space<hbm>>
    %dma_start3A_61 = arith.constant 0 : i32
    %dma_start3A_62 = tpu.memref_slice %arg7[%dma_start3A_61] : memref<32768xi32, #tpu.memory_space<vmem>> -> memref<16384xi32, #tpu.memory_space<vmem>>
    %dma_start3A_63 = tpu.memref_slice %arg6[%add3A_57] : memref<131072xi32, #tpu.memory_space<hbm>> -> memref<16384xi32, #tpu.memory_space<hbm>>
    tpu.enqueue_dma source(%dma_start3A_63 : memref<16384xi32, #tpu.memory_space<hbm>>) target(%dma_start3A_62 : memref<16384xi32, #tpu.memory_space<vmem>>) target_semaphore(%arg12 : memref<!tpu.dma_semaphore, #tpu.memory_space<semaphore_mem>>)
    %dma_wait3A_64 = arith.constant 16384 : i32
    %dma_wait3A_65 = tpu.memref_slice %arg7[%dma_wait3A_64] : memref<32768xi32, #tpu.memory_space<vmem>> -> memref<16384xi32, #tpu.memory_space<vmem>>
    %dma_wait3A_66 = tpu.memref_slice %arg6[%add3A_40] : memref<131072xi32, #tpu.memory_space<hbm>> -> memref<16384xi32, #tpu.memory_space<hbm>>
    %dma_wait3A_67 = arith.constant 16384 : i32
    %dma_wait3A_68 = tpu.memref_slice %arg7[%dma_wait3A_67] : memref<32768xi32, #tpu.memory_space<vmem>> -> memref<16384xi32, #tpu.memory_space<vmem>>
    %dma_wait3A_69 = tpu.memref_slice %arg6[%add3A_40] : memref<131072xi32, #tpu.memory_space<hbm>> -> memref<16384xi32, #tpu.memory_space<hbm>>
    tpu.wait_dma2 semaphore(%arg13 : memref<!tpu.dma_semaphore, #tpu.memory_space<semaphore_mem>>) src(%dma_wait3A_69 : memref<16384xi32, #tpu.memory_space<hbm>>) dst(%dma_wait3A_68 : memref<16384xi32, #tpu.memory_space<vmem>>)
    %parallel_loop3A_70 = arith.constant 0 : i32
    %parallel_loop3A_71 = arith.constant 1024 : i32
    %parallel_loop3A_72 = arith.constant 1 : i32
    scf.for %parallel_loop3A_239 = %parallel_loop3A_70 to %parallel_loop3A_71 step %parallel_loop3A_72  : i32 {
      %parallel_loop3A_240 = arith.constant 16 : i32
      %parallel_loop3A_241 = arith.muli %parallel_loop3A_239, %parallel_loop3A_240 : i32
      %parallel_loop3A_242 = arith.constant 16384 : i32
      %parallel_loop3A_243 = arith.addi %parallel_loop3A_242, %parallel_loop3A_241 : i32
      %parallel_loop3A_244 = arith.index_cast %parallel_loop3A_243 : i32 to index
      %parallel_loop3A_245 = tpu.vector_load %arg7[%parallel_loop3A_244] {strides = array<i32>} : memref<32768xi32, #tpu.memory_space<vmem>>, vector<16xi32>,
      %parallel_loop3A_246 = vector.broadcast %mul3A_32 : i32 to vector<16xi32>
      %parallel_loop3A_247 = arith.subi %parallel_loop3A_245, %parallel_loop3A_246 : vector<16xi32>
      %parallel_loop3A_248 = vector.bitcast %parallel_loop3A_247 : vector<16xi32> to vector<16xi32>
      %parallel_loop3A_249 = arith.minui %parallel_loop3A_248, %add3A_6 : vector<16xi32>
      %parallel_loop3A_250 = vector.bitcast %parallel_loop3A_249 : vector<16xi32> to vector<16xi32>
      tpu.vector_store_idx %arg8[%parallel_loop3A_250], %broadcast_in_dim3A_3 {add = true} : memref<65552xf32, #tpu.memory_space<vmem>>[vector<16xi32>], vector<16xf32>,
    } {sc.loop_unroll_factor = 16 : i64, sc.parallel_access}
    %add3A_73 = arith.constant 49152 : i32
    %add3A_74 = arith.addi %mul3A_10, %add3A_73 : i32
    %dma_start3A_75 = arith.constant 16384 : i32
    %dma_start3A_76 = tpu.memref_slice %arg7[%dma_start3A_75] : memref<32768xi32, #tpu.memory_space<vmem>> -> memref<16384xi32, #tpu.memory_space<vmem>>
    %dma_start3A_77 = tpu.memref_slice %arg6[%add3A_74] : memref<131072xi32, #tpu.memory_space<hbm>> -> memref<16384xi32, #tpu.memory_space<hbm>>
    %dma_start3A_78 = arith.constant 16384 : i32
    %dma_start3A_79 = tpu.memref_slice %arg7[%dma_start3A_78] : memref<32768xi32, #tpu.memory_space<vmem>> -> memref<16384xi32, #tpu.memory_space<vmem>>
    %dma_start3A_80 = tpu.memref_slice %arg6[%add3A_74] : memref<131072xi32, #tpu.memory_space<hbm>> -> memref<16384xi32, #tpu.memory_space<hbm>>
    tpu.enqueue_dma source(%dma_start3A_80 : memref<16384xi32, #tpu.memory_space<hbm>>) target(%dma_start3A_79 : memref<16384xi32, #tpu.memory_space<vmem>>) target_semaphore(%arg13 : memref<!tpu.dma_semaphore, #tpu.memory_space<semaphore_mem>>)
    %dma_wait3A_81 = arith.constant 0 : i32
    %dma_wait3A_82 = tpu.memref_slice %arg7[%dma_wait3A_81] : memref<32768xi32, #tpu.memory_space<vmem>> -> memref<16384xi32, #tpu.memory_space<vmem>>
    %dma_wait3A_83 = tpu.memref_slice %arg6[%add3A_57] : memref<131072xi32, #tpu.memory_space<hbm>> -> memref<16384xi32, #tpu.memory_space<hbm>>
    %dma_wait3A_84 = arith.constant 0 : i32
    %dma_wait3A_85 = tpu.memref_slice %arg7[%dma_wait3A_84] : memref<32768xi32, #tpu.memory_space<vmem>> -> memref<16384xi32, #tpu.memory_space<vmem>>
    %dma_wait3A_86 = tpu.memref_slice %arg6[%add3A_57] : memref<131072xi32, #tpu.memory_space<hbm>> -> memref<16384xi32, #tpu.memory_space<hbm>>
    tpu.wait_dma2 semaphore(%arg12 : memref<!tpu.dma_semaphore, #tpu.memory_space<semaphore_mem>>) src(%dma_wait3A_86 : memref<16384xi32, #tpu.memory_space<hbm>>) dst(%dma_wait3A_85 : memref<16384xi32, #tpu.memory_space<vmem>>)
    %parallel_loop3A_87 = arith.constant 0 : i32
    %parallel_loop3A_88 = arith.constant 1024 : i32
    %parallel_loop3A_89 = arith.constant 1 : i32
    scf.for %parallel_loop3A_239 = %parallel_loop3A_87 to %parallel_loop3A_88 step %parallel_loop3A_89  : i32 {
      %parallel_loop3A_240 = arith.constant 16 : i32
      %parallel_loop3A_241 = arith.muli %parallel_loop3A_239, %parallel_loop3A_240 : i32
      %parallel_loop3A_242 = arith.constant 0 : i32
      %parallel_loop3A_243 = arith.addi %parallel_loop3A_242, %parallel_loop3A_241 : i32
      %parallel_loop3A_244 = arith.index_cast %parallel_loop3A_243 : i32 to index
      %parallel_loop3A_245 = tpu.vector_load %arg7[%parallel_loop3A_244] {strides = array<i32>} : memref<32768xi32, #tpu.memory_space<vmem>>, vector<16xi32>,
      %parallel_loop3A_246 = vector.broadcast %mul3A_32 : i32 to vector<16xi32>
      %parallel_loop3A_247 = arith.subi %parallel_loop3A_245, %parallel_loop3A_246 : vector<16xi32>
      %parallel_loop3A_248 = vector.bitcast %parallel_loop3A_247 : vector<16xi32> to vector<16xi32>
      %parallel_loop3A_249 = arith.minui %parallel_loop3A_248, %add3A_6 : vector<16xi32>
      %parallel_loop3A_250 = vector.bitcast %parallel_loop3A_249 : vector<16xi32> to vector<16xi32>
      tpu.vector_store_idx %arg8[%parallel_loop3A_250], %broadcast_in_dim3A_3 {add = true} : memref<65552xf32, #tpu.memory_space<vmem>>[vector<16xi32>], vector<16xf32>,
    } {sc.loop_unroll_factor = 16 : i64, sc.parallel_access}
    %dma_wait3A_90 = arith.constant 16384 : i32
    %dma_wait3A_91 = tpu.memref_slice %arg7[%dma_wait3A_90] : memref<32768xi32, #tpu.memory_space<vmem>> -> memref<16384xi32, #tpu.memory_space<vmem>>
    %dma_wait3A_92 = tpu.memref_slice %arg6[%add3A_74] : memref<131072xi32, #tpu.memory_space<hbm>> -> memref<16384xi32, #tpu.memory_space<hbm>>
    %dma_wait3A_93 = arith.constant 16384 : i32
    %dma_wait3A_94 = tpu.memref_slice %arg7[%dma_wait3A_93] : memref<32768xi32, #tpu.memory_space<vmem>> -> memref<16384xi32, #tpu.memory_space<vmem>>
    %dma_wait3A_95 = tpu.memref_slice %arg6[%add3A_74] : memref<131072xi32, #tpu.memory_space<hbm>> -> memref<16384xi32, #tpu.memory_space<hbm>>
    tpu.wait_dma2 semaphore(%arg13 : memref<!tpu.dma_semaphore, #tpu.memory_space<semaphore_mem>>) src(%dma_wait3A_95 : memref<16384xi32, #tpu.memory_space<hbm>>) dst(%dma_wait3A_94 : memref<16384xi32, #tpu.memory_space<vmem>>)
    %parallel_loop3A_96 = arith.constant 0 : i32
    %parallel_loop3A_97 = arith.constant 1024 : i32
    %parallel_loop3A_98 = arith.constant 1 : i32
    scf.for %parallel_loop3A_239 = %parallel_loop3A_96 to %parallel_loop3A_97 step %parallel_loop3A_98  : i32 {
      %parallel_loop3A_240 = arith.constant 16 : i32
      %parallel_loop3A_241 = arith.muli %parallel_loop3A_239, %parallel_loop3A_240 : i32
      %parallel_loop3A_242 = arith.constant 16384 : i32
      %parallel_loop3A_243 = arith.addi %parallel_loop3A_242, %parallel_loop3A_241 : i32
      %parallel_loop3A_244 = arith.index_cast %parallel_loop3A_243 : i32 to index
      %parallel_loop3A_245 = tpu.vector_load %arg7[%parallel_loop3A_244] {strides = array<i32>} : memref<32768xi32, #tpu.memory_space<vmem>>, vector<16xi32>,
      %parallel_loop3A_246 = vector.broadcast %mul3A_32 : i32 to vector<16xi32>
      %parallel_loop3A_247 = arith.subi %parallel_loop3A_245, %parallel_loop3A_246 : vector<16xi32>
      %parallel_loop3A_248 = vector.bitcast %parallel_loop3A_247 : vector<16xi32> to vector<16xi32>
      %parallel_loop3A_249 = arith.minui %parallel_loop3A_248, %add3A_6 : vector<16xi32>
      %parallel_loop3A_250 = vector.bitcast %parallel_loop3A_249 : vector<16xi32> to vector<16xi32>
      tpu.vector_store_idx %arg8[%parallel_loop3A_250], %broadcast_in_dim3A_3 {add = true} : memref<65552xf32, #tpu.memory_space<vmem>>[vector<16xi32>], vector<16xf32>,
    } {sc.loop_unroll_factor = 16 : i64, sc.parallel_access}
    %add3A_99 = arith.constant 0 : i32
    %add3A_100 = arith.addi %mul3A_32, %add3A_99 : i32
    %dma_start3A_101 = arith.constant 0 : i32
    %dma_start3A_102 = tpu.memref_slice %arg8[%dma_start3A_101] : memref<65552xf32, #tpu.memory_space<vmem>> -> memref<16384xf32, #tpu.memory_space<vmem>>
    %dma_start3A_103 = tpu.memref_slice %arg5[%add3A_100] : memref<4194304xf32, #tpu.memory_space<hbm>> -> memref<16384xf32, #tpu.memory_space<hbm>>
    %dma_start3A_104 = tpu.memref_slice %arg5[%add3A_100] : memref<4194304xf32, #tpu.memory_space<hbm>> -> memref<16384xf32, #tpu.memory_space<hbm>>
    %dma_start3A_105 = arith.constant 0 : i32
    %dma_start3A_106 = tpu.memref_slice %arg8[%dma_start3A_105] : memref<65552xf32, #tpu.memory_space<vmem>> -> memref<16384xf32, #tpu.memory_space<vmem>>
    tpu.enqueue_dma source(%dma_start3A_106 : memref<16384xf32, #tpu.memory_space<vmem>>) target(%dma_start3A_104 : memref<16384xf32, #tpu.memory_space<hbm>>) target_semaphore(%arg14 : memref<!tpu.dma_semaphore, #tpu.memory_space<semaphore_mem>>)
    %add3A_107 = arith.constant 16384 : i32
    %add3A_108 = arith.addi %mul3A_32, %add3A_107 : i32
    %dma_start3A_109 = arith.constant 16384 : i32
    %dma_start3A_110 = tpu.memref_slice %arg8[%dma_start3A_109] : memref<65552xf32, #tpu.memory_space<vmem>> -> memref<16384xf32, #tpu.memory_space<vmem>>
    %dma_start3A_111 = tpu.memref_slice %arg5[%add3A_108] : memref<4194304xf32, #tpu.memory_space<hbm>> -> memref<16384xf32, #tpu.memory_space<hbm>>
    %dma_start3A_112 = tpu.memref_slice %arg5[%add3A_108] : memref<4194304xf32, #tpu.memory_space<hbm>> -> memref<16384xf32, #tpu.memory_space<hbm>>
    %dma_start3A_113 = arith.constant 16384 : i32
    %dma_start3A_114 = tpu.memref_slice %arg8[%dma_start3A_113] : memref<65552xf32, #tpu.memory_space<vmem>> -> memref<16384xf32, #tpu.memory_space<vmem>>
    tpu.enqueue_dma source(%dma_start3A_114 : memref<16384xf32, #tpu.memory_space<vmem>>) target(%dma_start3A_112 : memref<16384xf32, #tpu.memory_space<hbm>>) target_semaphore(%arg15 : memref<!tpu.dma_semaphore, #tpu.memory_space<semaphore_mem>>)
    %add3A_115 = arith.constant 32768 : i32
    %add3A_116 = arith.addi %mul3A_32, %add3A_115 : i32
    %dma_start3A_117 = arith.constant 32768 : i32
    %dma_start3A_118 = tpu.memref_slice %arg8[%dma_start3A_117] : memref<65552xf32, #tpu.memory_space<vmem>> -> memref<16384xf32, #tpu.memory_space<vmem>>
    %dma_start3A_119 = tpu.memref_slice %arg5[%add3A_116] : memref<4194304xf32, #tpu.memory_space<hbm>> -> memref<16384xf32, #tpu.memory_space<hbm>>
    %dma_start3A_120 = tpu.memref_slice %arg5[%add3A_116] : memref<4194304xf32, #tpu.memory_space<hbm>> -> memref<16384xf32, #tpu.memory_space<hbm>>
    %dma_start3A_121 = arith.constant 32768 : i32
    %dma_start3A_122 = tpu.memref_slice %arg8[%dma_start3A_121] : memref<65552xf32, #tpu.memory_space<vmem>> -> memref<16384xf32, #tpu.memory_space<vmem>>
    tpu.enqueue_dma source(%dma_start3A_122 : memref<16384xf32, #tpu.memory_space<vmem>>) target(%dma_start3A_120 : memref<16384xf32, #tpu.memory_space<hbm>>) target_semaphore(%arg16 : memref<!tpu.dma_semaphore, #tpu.memory_space<semaphore_mem>>)
    %add3A_123 = arith.constant 49152 : i32
    %add3A_124 = arith.addi %mul3A_32, %add3A_123 : i32
    %dma_start3A_125 = arith.constant 49152 : i32
    %dma_start3A_126 = tpu.memref_slice %arg8[%dma_start3A_125] : memref<65552xf32, #tpu.memory_space<vmem>> -> memref<16384xf32, #tpu.memory_space<vmem>>
    %dma_start3A_127 = tpu.memref_slice %arg5[%add3A_124] : memref<4194304xf32, #tpu.memory_space<hbm>> -> memref<16384xf32, #tpu.memory_space<hbm>>
    %dma_start3A_128 = tpu.memref_slice %arg5[%add3A_124] : memref<4194304xf32, #tpu.memory_space<hbm>> -> memref<16384xf32, #tpu.memory_space<hbm>>
    %dma_start3A_129 = arith.constant 49152 : i32
    %dma_start3A_130 = tpu.memref_slice %arg8[%dma_start3A_129] : memref<65552xf32, #tpu.memory_space<vmem>> -> memref<16384xf32, #tpu.memory_space<vmem>>
    tpu.enqueue_dma source(%dma_start3A_130 : memref<16384xf32, #tpu.memory_space<vmem>>) target(%dma_start3A_128 : memref<16384xf32, #tpu.memory_space<hbm>>) target_semaphore(%arg17 : memref<!tpu.dma_semaphore, #tpu.memory_space<semaphore_mem>>)
    %mul3A_131 = arith.constant 2 : i32
    %mul3A_132 = arith.muli %add3A, %mul3A_131 : i32
    %add3A_133 = arith.constant 1 : i32
    %add3A_134 = arith.addi %mul3A_132, %add3A_133 : i32
    %mul3A_135 = arith.constant 65536 : i32
    %mul3A_136 = arith.muli %add3A_134, %mul3A_135 : i32
    %dma_start3A_137 = arith.constant 0 : i32
    %dma_start3A_138 = tpu.memref_slice %arg7[%dma_start3A_137] : memref<32768xi32, #tpu.memory_space<vmem>> -> memref<16384xi32, #tpu.memory_space<vmem>>
    %dma_start3A_139 = tpu.memref_slice %arg6[%mul3A_10] : memref<131072xi32, #tpu.memory_space<hbm>> -> memref<16384xi32, #tpu.memory_space<hbm>>
    %dma_start3A_140 = arith.constant 0 : i32
    %dma_start3A_141 = tpu.memref_slice %arg7[%dma_start3A_140] : memref<32768xi32, #tpu.memory_space<vmem>> -> memref<16384xi32, #tpu.memory_space<vmem>>
    %dma_start3A_142 = tpu.memref_slice %arg6[%mul3A_10] : memref<131072xi32, #tpu.memory_space<hbm>> -> memref<16384xi32, #tpu.memory_space<hbm>>
    tpu.enqueue_dma source(%dma_start3A_142 : memref<16384xi32, #tpu.memory_space<hbm>>) target(%dma_start3A_141 : memref<16384xi32, #tpu.memory_space<vmem>>) target_semaphore(%arg12 : memref<!tpu.dma_semaphore, #tpu.memory_space<semaphore_mem>>)
    %dma_wait3A_143 = arith.constant 0 : i32
    %dma_wait3A_144 = tpu.memref_slice %arg8[%dma_wait3A_143] : memref<65552xf32, #tpu.memory_space<vmem>> -> memref<16384xf32, #tpu.memory_space<vmem>>
    %dma_wait3A_145 = tpu.memref_slice %arg5[%add3A_100] : memref<4194304xf32, #tpu.memory_space<hbm>> -> memref<16384xf32, #tpu.memory_space<hbm>>
    %dma_wait3A_146 = tpu.memref_slice %arg5[%add3A_100] : memref<4194304xf32, #tpu.memory_space<hbm>> -> memref<16384xf32, #tpu.memory_space<hbm>>
    %dma_wait3A_147 = arith.constant 0 : i32
    %dma_wait3A_148 = tpu.memref_slice %arg8[%dma_wait3A_147] : memref<65552xf32, #tpu.memory_space<vmem>> -> memref<16384xf32, #tpu.memory_space<vmem>>
    tpu.wait_dma2 semaphore(%arg14 : memref<!tpu.dma_semaphore, #tpu.memory_space<semaphore_mem>>) src(%dma_wait3A_148 : memref<16384xf32, #tpu.memory_space<vmem>>) dst(%dma_wait3A_146 : memref<16384xf32, #tpu.memory_space<hbm>>)
    %parallel_loop3A_149 = arith.constant 0 : i32
    %parallel_loop3A_150 = arith.constant 1024 : i32
    %parallel_loop3A_151 = arith.constant 1 : i32
    scf.for %parallel_loop3A_239 = %parallel_loop3A_149 to %parallel_loop3A_150 step %parallel_loop3A_151  : i32 {
      %parallel_loop3A_240 = arith.constant 16 : i32
      %parallel_loop3A_241 = arith.muli %parallel_loop3A_239, %parallel_loop3A_240 : i32
      %parallel_loop3A_242 = arith.constant 0 : i32
      %parallel_loop3A_243 = arith.addi %parallel_loop3A_242, %parallel_loop3A_241 : i32
      %parallel_loop3A_244 = arith.index_cast %parallel_loop3A_243 : i32 to index
      %parallel_loop3A_245 = tpu.vector_load %arg8[%parallel_loop3A_244] {strides = array<i32>} : memref<65552xf32, #tpu.memory_space<vmem>>, vector<16xf32>,
      tpu.vector_store %arg8[%parallel_loop3A_244], %broadcast_in_dim3A_1 {strides = array<i32>} : memref<65552xf32, #tpu.memory_space<vmem>>, vector<16xf32>,
    } {sc.loop_unroll_factor = 8 : i64, sc.parallel_access}
    %dma_wait3A_152 = arith.constant 16384 : i32
    %dma_wait3A_153 = tpu.memref_slice %arg8[%dma_wait3A_152] : memref<65552xf32, #tpu.memory_space<vmem>> -> memref<16384xf32, #tpu.memory_space<vmem>>
    %dma_wait3A_154 = tpu.memref_slice %arg5[%add3A_108] : memref<4194304xf32, #tpu.memory_space<hbm>> -> memref<16384xf32, #tpu.memory_space<hbm>>
    %dma_wait3A_155 = tpu.memref_slice %arg5[%add3A_108] : memref<4194304xf32, #tpu.memory_space<hbm>> -> memref<16384xf32, #tpu.memory_space<hbm>>
    %dma_wait3A_156 = arith.constant 16384 : i32
    %dma_wait3A_157 = tpu.memref_slice %arg8[%dma_wait3A_156] : memref<65552xf32, #tpu.memory_space<vmem>> -> memref<16384xf32, #tpu.memory_space<vmem>>
    tpu.wait_dma2 semaphore(%arg15 : memref<!tpu.dma_semaphore, #tpu.memory_space<semaphore_mem>>) src(%dma_wait3A_157 : memref<16384xf32, #tpu.memory_space<vmem>>) dst(%dma_wait3A_155 : memref<16384xf32, #tpu.memory_space<hbm>>)
    %parallel_loop3A_158 = arith.constant 0 : i32
    %parallel_loop3A_159 = arith.constant 1024 : i32
    %parallel_loop3A_160 = arith.constant 1 : i32
    scf.for %parallel_loop3A_239 = %parallel_loop3A_158 to %parallel_loop3A_159 step %parallel_loop3A_160  : i32 {
      %parallel_loop3A_240 = arith.constant 16 : i32
      %parallel_loop3A_241 = arith.muli %parallel_loop3A_239, %parallel_loop3A_240 : i32
      %parallel_loop3A_242 = arith.constant 16384 : i32
      %parallel_loop3A_243 = arith.addi %parallel_loop3A_242, %parallel_loop3A_241 : i32
      %parallel_loop3A_244 = arith.index_cast %parallel_loop3A_243 : i32 to index
      %parallel_loop3A_245 = tpu.vector_load %arg8[%parallel_loop3A_244] {strides = array<i32>} : memref<65552xf32, #tpu.memory_space<vmem>>, vector<16xf32>,
      tpu.vector_store %arg8[%parallel_loop3A_244], %broadcast_in_dim3A_1 {strides = array<i32>} : memref<65552xf32, #tpu.memory_space<vmem>>, vector<16xf32>,
    } {sc.loop_unroll_factor = 8 : i64, sc.parallel_access}
    %dma_wait3A_161 = arith.constant 32768 : i32
    %dma_wait3A_162 = tpu.memref_slice %arg8[%dma_wait3A_161] : memref<65552xf32, #tpu.memory_space<vmem>> -> memref<16384xf32, #tpu.memory_space<vmem>>
    %dma_wait3A_163 = tpu.memref_slice %arg5[%add3A_116] : memref<4194304xf32, #tpu.memory_space<hbm>> -> memref<16384xf32, #tpu.memory_space<hbm>>
    %dma_wait3A_164 = tpu.memref_slice %arg5[%add3A_116] : memref<4194304xf32, #tpu.memory_space<hbm>> -> memref<16384xf32, #tpu.memory_space<hbm>>
    %dma_wait3A_165 = arith.constant 32768 : i32
    %dma_wait3A_166 = tpu.memref_slice %arg8[%dma_wait3A_165] : memref<65552xf32, #tpu.memory_space<vmem>> -> memref<16384xf32, #tpu.memory_space<vmem>>
    tpu.wait_dma2 semaphore(%arg16 : memref<!tpu.dma_semaphore, #tpu.memory_space<semaphore_mem>>) src(%dma_wait3A_166 : memref<16384xf32, #tpu.memory_space<vmem>>) dst(%dma_wait3A_164 : memref<16384xf32, #tpu.memory_space<hbm>>)
    %parallel_loop3A_167 = arith.constant 0 : i32
    %parallel_loop3A_168 = arith.constant 1024 : i32
    %parallel_loop3A_169 = arith.constant 1 : i32
    scf.for %parallel_loop3A_239 = %parallel_loop3A_167 to %parallel_loop3A_168 step %parallel_loop3A_169  : i32 {
      %parallel_loop3A_240 = arith.constant 16 : i32
      %parallel_loop3A_241 = arith.muli %parallel_loop3A_239, %parallel_loop3A_240 : i32
      %parallel_loop3A_242 = arith.constant 32768 : i32
      %parallel_loop3A_243 = arith.addi %parallel_loop3A_242, %parallel_loop3A_241 : i32
      %parallel_loop3A_244 = arith.index_cast %parallel_loop3A_243 : i32 to index
      %parallel_loop3A_245 = tpu.vector_load %arg8[%parallel_loop3A_244] {strides = array<i32>} : memref<65552xf32, #tpu.memory_space<vmem>>, vector<16xf32>,
      tpu.vector_store %arg8[%parallel_loop3A_244], %broadcast_in_dim3A_1 {strides = array<i32>} : memref<65552xf32, #tpu.memory_space<vmem>>, vector<16xf32>,
    } {sc.loop_unroll_factor = 8 : i64, sc.parallel_access}
    %dma_wait3A_170 = arith.constant 49152 : i32
    %dma_wait3A_171 = tpu.memref_slice %arg8[%dma_wait3A_170] : memref<65552xf32, #tpu.memory_space<vmem>> -> memref<16384xf32, #tpu.memory_space<vmem>>
    %dma_wait3A_172 = tpu.memref_slice %arg5[%add3A_124] : memref<4194304xf32, #tpu.memory_space<hbm>> -> memref<16384xf32, #tpu.memory_space<hbm>>
    %dma_wait3A_173 = tpu.memref_slice %arg5[%add3A_124] : memref<4194304xf32, #tpu.memory_space<hbm>> -> memref<16384xf32, #tpu.memory_space<hbm>>
    %dma_wait3A_174 = arith.constant 49152 : i32
    %dma_wait3A_175 = tpu.memref_slice %arg8[%dma_wait3A_174] : memref<65552xf32, #tpu.memory_space<vmem>> -> memref<16384xf32, #tpu.memory_space<vmem>>
    tpu.wait_dma2 semaphore(%arg17 : memref<!tpu.dma_semaphore, #tpu.memory_space<semaphore_mem>>) src(%dma_wait3A_175 : memref<16384xf32, #tpu.memory_space<vmem>>) dst(%dma_wait3A_173 : memref<16384xf32, #tpu.memory_space<hbm>>)
    %parallel_loop3A_176 = arith.constant 0 : i32
    %parallel_loop3A_177 = arith.constant 1024 : i32
    %parallel_loop3A_178 = arith.constant 1 : i32
    scf.for %parallel_loop3A_239 = %parallel_loop3A_176 to %parallel_loop3A_177 step %parallel_loop3A_178  : i32 {
      %parallel_loop3A_240 = arith.constant 16 : i32
      %parallel_loop3A_241 = arith.muli %parallel_loop3A_239, %parallel_loop3A_240 : i32
      %parallel_loop3A_242 = arith.constant 49152 : i32
      %parallel_loop3A_243 = arith.addi %parallel_loop3A_242, %parallel_loop3A_241 : i32
      %parallel_loop3A_244 = arith.index_cast %parallel_loop3A_243 : i32 to index
      %parallel_loop3A_245 = tpu.vector_load %arg8[%parallel_loop3A_244] {strides = array<i32>} : memref<65552xf32, #tpu.memory_space<vmem>>, vector<16xf32>,
      tpu.vector_store %arg8[%parallel_loop3A_244], %broadcast_in_dim3A_1 {strides = array<i32>} : memref<65552xf32, #tpu.memory_space<vmem>>, vector<16xf32>,
    } {sc.loop_unroll_factor = 8 : i64, sc.parallel_access}
    %add3A_179 = arith.constant 16384 : i32
    %add3A_180 = arith.addi %mul3A_10, %add3A_179 : i32
    %dma_start3A_181 = arith.constant 16384 : i32
    %dma_start3A_182 = tpu.memref_slice %arg7[%dma_start3A_181] : memref<32768xi32, #tpu.memory_space<vmem>> -> memref<16384xi32, #tpu.memory_space<vmem>>
    %dma_start3A_183 = tpu.memref_slice %arg6[%add3A_180] : memref<131072xi32, #tpu.memory_space<hbm>> -> memref<16384xi32, #tpu.memory_space<hbm>>
    %dma_start3A_184 = arith.constant 16384 : i32
    %dma_start3A_185 = tpu.memref_slice %arg7[%dma_start3A_184] : memref<32768xi32, #tpu.memory_space<vmem>> -> memref<16384xi32, #tpu.memory_space<vmem>>
    %dma_start3A_186 = tpu.memref_slice %arg6[%add3A_180] : memref<131072xi32, #tpu.memory_space<hbm>> -> memref<16384xi32, #tpu.memory_space<hbm>>
    tpu.enqueue_dma source(%dma_start3A_186 : memref<16384xi32, #tpu.memory_space<hbm>>) target(%dma_start3A_185 : memref<16384xi32, #tpu.memory_space<vmem>>) target_semaphore(%arg13 : memref<!tpu.dma_semaphore, #tpu.memory_space<semaphore_mem>>)
    %dma_wait3A_187 = arith.constant 0 : i32
    %dma_wait3A_188 = tpu.memref_slice %arg7[%dma_wait3A_187] : memref<32768xi32, #tpu.memory_space<vmem>> -> memref<16384xi32, #tpu.memory_space<vmem>>
    %dma_wait3A_189 = tpu.memref_slice %arg6[%mul3A_10] : memref<131072xi32, #tpu.memory_space<hbm>> -> memref<16384xi32, #tpu.memory_space<hbm>>
    %dma_wait3A_190 = arith.constant 0 : i32
    %dma_wait3A_191 = tpu.memref_slice %arg7[%dma_wait3A_190] : memref<32768xi32, #tpu.memory_space<vmem>> -> memref<16384xi32, #tpu.memory_space<vmem>>
    %dma_wait3A_192 = tpu.memref_slice %arg6[%mul3A_10] : memref<131072xi32, #tpu.memory_space<hbm>> -> memref<16384xi32, #tpu.memory_space<hbm>>
    tpu.wait_dma2 semaphore(%arg12 : memref<!tpu.dma_semaphore, #tpu.memory_space<semaphore_mem>>) src(%dma_wait3A_192 : memref<16384xi32, #tpu.memory_space<hbm>>) dst(%dma_wait3A_191 : memref<16384xi32, #tpu.memory_space<vmem>>)
    %parallel_loop3A_193 = arith.constant 0 : i32
    %parallel_loop3A_194 = arith.constant 1024 : i32
    %parallel_loop3A_195 = arith.constant 1 : i32
    scf.for %parallel_loop3A_239 = %parallel_loop3A_193 to %parallel_loop3A_194 step %parallel_loop3A_195  : i32 {
      %parallel_loop3A_240 = arith.constant 16 : i32
      %parallel_loop3A_241 = arith.muli %parallel_loop3A_239, %parallel_loop3A_240 : i32
      %parallel_loop3A_242 = arith.constant 0 : i32
      %parallel_loop3A_243 = arith.addi %parallel_loop3A_242, %parallel_loop3A_241 : i32
      %parallel_loop3A_244 = arith.index_cast %parallel_loop3A_243 : i32 to index
      %parallel_loop3A_245 = tpu.vector_load %arg7[%parallel_loop3A_244] {strides = array<i32>} : memref<32768xi32, #tpu.memory_space<vmem>>, vector<16xi32>,
      %parallel_loop3A_246 = vector.broadcast %mul3A_136 : i32 to vector<16xi32>
      %parallel_loop3A_247 = arith.subi %parallel_loop3A_245, %parallel_loop3A_246 : vector<16xi32>
      %parallel_loop3A_248 = vector.bitcast %parallel_loop3A_247 : vector<16xi32> to vector<16xi32>
      %parallel_loop3A_249 = arith.minui %parallel_loop3A_248, %add3A_6 : vector<16xi32>
      %parallel_loop3A_250 = vector.bitcast %parallel_loop3A_249 : vector<16xi32> to vector<16xi32>
      tpu.vector_store_idx %arg8[%parallel_loop3A_250], %broadcast_in_dim3A_3 {add = true} : memref<65552xf32, #tpu.memory_space<vmem>>[vector<16xi32>], vector<16xf32>,
    } {sc.loop_unroll_factor = 16 : i64, sc.parallel_access}
    %add3A_196 = arith.constant 32768 : i32
    %add3A_197 = arith.addi %mul3A_10, %add3A_196 : i32
    %dma_start3A_198 = arith.constant 0 : i32
    %dma_start3A_199 = tpu.memref_slice %arg7[%dma_start3A_198] : memref<32768xi32, #tpu.memory_space<vmem>> -> memref<16384xi32, #tpu.memory_space<vmem>>
    %dma_start3A_200 = tpu.memref_slice %arg6[%add3A_197] : memref<131072xi32, #tpu.memory_space<hbm>> -> memref<16384xi32, #tpu.memory_space<hbm>>
    %dma_start3A_201 = arith.constant 0 : i32
    %dma_start3A_202 = tpu.memref_slice %arg7[%dma_start3A_201] : memref<32768xi32, #tpu.memory_space<vmem>> -> memref<16384xi32, #tpu.memory_space<vmem>>
    %dma_start3A_203 = tpu.memref_slice %arg6[%add3A_197] : memref<131072xi32, #tpu.memory_space<hbm>> -> memref<16384xi32, #tpu.memory_space<hbm>>
    tpu.enqueue_dma source(%dma_start3A_203 : memref<16384xi32, #tpu.memory_space<hbm>>) target(%dma_start3A_202 : memref<16384xi32, #tpu.memory_space<vmem>>) target_semaphore(%arg12 : memref<!tpu.dma_semaphore, #tpu.memory_space<semaphore_mem>>)
    %dma_wait3A_204 = arith.constant 16384 : i32
    %dma_wait3A_205 = tpu.memref_slice %arg7[%dma_wait3A_204] : memref<32768xi32, #tpu.memory_space<vmem>> -> memref<16384xi32, #tpu.memory_space<vmem>>
    %dma_wait3A_206 = tpu.memref_slice %arg6[%add3A_180] : memref<131072xi32, #tpu.memory_space<hbm>> -> memref<16384xi32, #tpu.memory_space<hbm>>
    %dma_wait3A_207 = arith.constant 16384 : i32
    %dma_wait3A_208 = tpu.memref_slice %arg7[%dma_wait3A_207] : memref<32768xi32, #tpu.memory_space<vmem>> -> memref<16384xi32, #tpu.memory_space<vmem>>
    %dma_wait3A_209 = tpu.memref_slice %arg6[%add3A_180] : memref<131072xi32, #tpu.memory_space<hbm>> -> memref<16384xi32, #tpu.memory_space<hbm>>
    tpu.wait_dma2 semaphore(%arg13 : memref<!tpu.dma_semaphore, #tpu.memory_space<semaphore_mem>>) src(%dma_wait3A_209 : memref<16384xi32, #tpu.memory_space<hbm>>) dst(%dma_wait3A_208 : memref<16384xi32, #tpu.memory_space<vmem>>)
    %parallel_loop3A_210 = arith.constant 0 : i32
    %parallel_loop3A_211 = arith.constant 1024 : i32
    %parallel_loop3A_212 = arith.constant 1 : i32
    scf.for %parallel_loop3A_239 = %parallel_loop3A_210 to %parallel_loop3A_211 step %parallel_loop3A_212  : i32 {
      %parallel_loop3A_240 = arith.constant 16 : i32
      %parallel_loop3A_241 = arith.muli %parallel_loop3A_239, %parallel_loop3A_240 : i32
      %parallel_loop3A_242 = arith.constant 16384 : i32
      %parallel_loop3A_243 = arith.addi %parallel_loop3A_242, %parallel_loop3A_241 : i32
      %parallel_loop3A_244 = arith.index_cast %parallel_loop3A_243 : i32 to index
      %parallel_loop3A_245 = tpu.vector_load %arg7[%parallel_loop3A_244] {strides = array<i32>} : memref<32768xi32, #tpu.memory_space<vmem>>, vector<16xi32>,
      %parallel_loop3A_246 = vector.broadcast %mul3A_136 : i32 to vector<16xi32>
      %parallel_loop3A_247 = arith.subi %parallel_loop3A_245, %parallel_loop3A_246 : vector<16xi32>
      %parallel_loop3A_248 = vector.bitcast %parallel_loop3A_247 : vector<16xi32> to vector<16xi32>
      %parallel_loop3A_249 = arith.minui %parallel_loop3A_248, %add3A_6 : vector<16xi32>
      %parallel_loop3A_250 = vector.bitcast %parallel_loop3A_249 : vector<16xi32> to vector<16xi32>
      tpu.vector_store_idx %arg8[%parallel_loop3A_250], %broadcast_in_dim3A_3 {add = true} : memref<65552xf32, #tpu.memory_space<vmem>>[vector<16xi32>], vector<16xf32>,
    } {sc.loop_unroll_factor = 16 : i64, sc.parallel_access}
    %add3A_213 = arith.constant 49152 : i32
    %add3A_214 = arith.addi %mul3A_10, %add3A_213 : i32
    %dma_start3A_215 = arith.constant 16384 : i32
    %dma_start3A_216 = tpu.memref_slice %arg7[%dma_start3A_215] : memref<32768xi32, #tpu.memory_space<vmem>> -> memref<16384xi32, #tpu.memory_space<vmem>>
    %dma_start3A_217 = tpu.memref_slice %arg6[%add3A_214] : memref<131072xi32, #tpu.memory_space<hbm>> -> memref<16384xi32, #tpu.memory_space<hbm>>
    %dma_start3A_218 = arith.constant 16384 : i32
    %dma_start3A_219 = tpu.memref_slice %arg7[%dma_start3A_218] : memref<32768xi32, #tpu.memory_space<vmem>> -> memref<16384xi32, #tpu.memory_space<vmem>>
    %dma_start3A_220 = tpu.memref_slice %arg6[%add3A_214] : memref<131072xi32, #tpu.memory_space<hbm>> -> memref<16384xi32, #tpu.memory_space<hbm>>
    tpu.enqueue_dma source(%dma_start3A_220 : memref<16384xi32, #tpu.memory_space<hbm>>) target(%dma_start3A_219 : memref<16384xi32, #tpu.memory_space<vmem>>) target_semaphore(%arg13 : memref<!tpu.dma_semaphore, #tpu.memory_space<semaphore_mem>>)
    %dma_wait3A_221 = arith.constant 0 : i32
    %dma_wait3A_222 = tpu.memref_slice %arg7[%dma_wait3A_221] : memref<32768xi32, #tpu.memory_space<vmem>> -> memref<16384xi32, #tpu.memory_space<vmem>>
    %dma_wait3A_223 = tpu.memref_slice %arg6[%add3A_197] : memref<131072xi32, #tpu.memory_space<hbm>> -> memref<16384xi32, #tpu.memory_space<hbm>>
    %dma_wait3A_224 = arith.constant 0 : i32
    %dma_wait3A_225 = tpu.memref_slice %arg7[%dma_wait3A_224] : memref<32768xi32, #tpu.memory_space<vmem>> -> memref<16384xi32, #tpu.memory_space<vmem>>
    %dma_wait3A_226 = tpu.memref_slice %arg6[%add3A_197] : memref<131072xi32, #tpu.memory_space<hbm>> -> memref<16384xi32, #tpu.memory_space<hbm>>
    tpu.wait_dma2 semaphore(%arg12 : memref<!tpu.dma_semaphore, #tpu.memory_space<semaphore_mem>>) src(%dma_wait3A_226 : memref<16384xi32, #tpu.memory_space<hbm>>) dst(%dma_wait3A_225 : memref<16384xi32, #tpu.memory_space<vmem>>)
    %parallel_loop3A_227 = arith.constant 0 : i32
    %parallel_loop3A_228 = arith.constant 1024 : i32
    %parallel_loop3A_229 = arith.constant 1 : i32
    scf.for %parallel_loop3A_239 = %parallel_loop3A_227 to %parallel_loop3A_228 step %parallel_loop3A_229  : i32 {
      %parallel_loop3A_240 = arith.constant 16 : i32
      %parallel_loop3A_241 = arith.muli %parallel_loop3A_239, %parallel_loop3A_240 : i32
      %parallel_loop3A_242 = arith.constant 0 : i32
      %parallel_loop3A_243 = arith.addi %parallel_loop3A_242, %parallel_loop3A_241 : i32
      %parallel_loop3A_244 = arith.index_cast %parallel_loop3A_243 : i32 to index
      %parallel_loop3A_245 = tpu.vector_load %arg7[%parallel_loop3A_244] {strides = array<i32>} : memref<32768xi32, #tpu.memory_space<vmem>>, vector<16xi32>,
      %parallel_loop3A_246 = vector.broadcast %mul3A_136 : i32 to vector<16xi32>
      %parallel_loop3A_247 = arith.subi %parallel_loop3A_245, %parallel_loop3A_246 : vector<16xi32>
      %parallel_loop3A_248 = vector.bitcast %parallel_loop3A_247 : vector<16xi32> to vector<16xi32>
      %parallel_loop3A_249 = arith.minui %parallel_loop3A_248, %add3A_6 : vector<16xi32>
      %parallel_loop3A_250 = vector.bitcast %parallel_loop3A_249 : vector<16xi32> to vector<16xi32>
      tpu.vector_store_idx %arg8[%parallel_loop3A_250], %broadcast_in_dim3A_3 {add = true} : memref<65552xf32, #tpu.memory_space<vmem>>[vector<16xi32>], vector<16xf32>,
    } {sc.loop_unroll_factor = 16 : i64, sc.parallel_access}
    %dma_wait3A_230 = arith.constant 16384 : i32
    %dma_wait3A_231 = tpu.memref_slice %arg7[%dma_wait3A_230] : memref<32768xi32, #tpu.memory_space<vmem>> -> memref<16384xi32, #tpu.memory_space<vmem>>
    %dma_wait3A_232 = tpu.memref_slice %arg6[%add3A_214] : memref<131072xi32, #tpu.memory_space<hbm>> -> memref<16384xi32, #tpu.memory_space<hbm>>
    %dma_wait3A_233 = arith.constant 16384 : i32
    %dma_wait3A_234 = tpu.memref_slice %arg7[%dma_wait3A_233] : memref<32768xi32, #tpu.memory_space<vmem>> -> memref<16384xi32, #tpu.memory_space<vmem>>
    %dma_wait3A_235 = tpu.memref_slice %arg6[%add3A_214] : memref<131072xi32, #tpu.memory_space<hbm>> -> memref<16384xi32, #tpu.memory_space<hbm>>
    tpu.wait_dma2 semaphore(%arg13 : memref<!tpu.dma_semaphore, #tpu.memory_space<semaphore_mem>>) src(%dma_wait3A_235 : memref<16384xi32, #tpu.memory_space<hbm>>) dst(%dma_wait3A_234 : memref<16384xi32, #tpu.memory_space<vmem>>)
    %parallel_loop3A_236 = arith.constant 0 : i32
    %parallel_loop3A_237 = arith.constant 1024 : i32
    %parallel_loop3A_238 = arith.constant 1 : i32
    scf.for %parallel_loop3A_239 = %parallel_loop3A_236 to %parallel_loop3A_237 step %parallel_loop3A_238  : i32 {
      %parallel_loop3A_240 = arith.constant 16 : i32
      %parallel_loop3A_241 = arith.muli %parallel_loop3A_239, %parallel_loop3A_240 : i32
      %parallel_loop3A_242 = arith.constant 16384 : i32
      %parallel_loop3A_243 = arith.addi %parallel_loop3A_242, %parallel_loop3A_241 : i32
      %parallel_loop3A_244 = arith.index_cast %parallel_loop3A_243 : i32 to index
      %parallel_loop3A_245 = tpu.vector_load %arg7[%parallel_loop3A_244] {strides = array<i32>} : memref<32768xi32, #tpu.memory_space<vmem>>, vector<16xi32>,
      %parallel_loop3A_246 = vector.broadcast %mul3A_136 : i32 to vector<16xi32>
      %parallel_loop3A_247 = arith.subi %parallel_loop3A_245, %parallel_loop3A_246 : vector<16xi32>
      %parallel_loop3A_248 = vector.bitcast %parallel_loop3A_247 : vector<16xi32> to vector<16xi32>
      %parallel_loop3A_249 = arith.minui %parallel_loop3A_248, %add3A_6 : vector<16xi32>
      %parallel_loop3A_250 = vector.bitcast %parallel_loop3A_249 : vector<16xi32> to vector<16xi32>
      tpu.vector_store_idx %arg8[%parallel_loop3A_250], %broadcast_in_dim3A_3 {add = true} : memref<65552xf32, #tpu.memory_space<vmem>>[vector<16xi32>], vector<16xf32>,
    } {sc.loop_unroll_factor = 16 : i64, sc.parallel_access}
    "tpu.region"() ({
      %run_scoped3A = tpu.sem_alloc : memref<!tpu.dma_semaphore, #tpu.memory_space<semaphore_mem>>
      %dma_start3A_239 = arith.constant 0 : i32
      %dma_start3A_240 = tpu.memref_slice %arg8[%dma_start3A_239] : memref<65552xf32, #tpu.memory_space<vmem>> -> memref<65536xf32, #tpu.memory_space<vmem>>
      %dma_start3A_241 = tpu.memref_slice %arg5[%mul3A_136] : memref<4194304xf32, #tpu.memory_space<hbm>> -> memref<65536xf32, #tpu.memory_space<hbm>>
      %dma_start3A_242 = tpu.memref_slice %arg5[%mul3A_136] : memref<4194304xf32, #tpu.memory_space<hbm>> -> memref<65536xf32, #tpu.memory_space<hbm>>
      %dma_start3A_243 = arith.constant 0 : i32
      %dma_start3A_244 = tpu.memref_slice %arg8[%dma_start3A_243] : memref<65552xf32, #tpu.memory_space<vmem>> -> memref<65536xf32, #tpu.memory_space<vmem>>
      tpu.enqueue_dma source(%dma_start3A_244 : memref<65536xf32, #tpu.memory_space<vmem>>) target(%dma_start3A_242 : memref<65536xf32, #tpu.memory_space<hbm>>) target_semaphore(%run_scoped3A : memref<!tpu.dma_semaphore, #tpu.memory_space<semaphore_mem>>)
      %dma_wait3A_245 = arith.constant 0 : i32
      %dma_wait3A_246 = tpu.memref_slice %arg8[%dma_wait3A_245] : memref<65552xf32, #tpu.memory_space<vmem>> -> memref<65536xf32, #tpu.memory_space<vmem>>
      %dma_wait3A_247 = tpu.memref_slice %arg5[%mul3A_136] : memref<4194304xf32, #tpu.memory_space<hbm>> -> memref<65536xf32, #tpu.memory_space<hbm>>
      %dma_wait3A_248 = tpu.memref_slice %arg5[%mul3A_136] : memref<4194304xf32, #tpu.memory_space<hbm>> -> memref<65536xf32, #tpu.memory_space<hbm>>
      %dma_wait3A_249 = arith.constant 0 : i32
      %dma_wait3A_250 = tpu.memref_slice %arg8[%dma_wait3A_249] : memref<65552xf32, #tpu.memory_space<vmem>> -> memref<65536xf32, #tpu.memory_space<vmem>>
      tpu.wait_dma2 semaphore(%run_scoped3A : memref<!tpu.dma_semaphore, #tpu.memory_space<semaphore_mem>>) src(%dma_wait3A_250 : memref<65536xf32, #tpu.memory_space<vmem>>) dst(%dma_wait3A_248 : memref<65536xf32, #tpu.memory_space<hbm>>)
      tpu.yield
    }) : () -> ()
    return
  }
}

module attributes {stable_mosaic.version = 14 : i64} {
  func.func @_mm_body(%arg0: i32, %arg1: memref<4x2048x128xf32, #tpu.memory_space<vmem>>, %arg2: memref<2048x512xf32, #tpu.memory_space<vmem>>) attributes {dimension_semantics = [#tpu.dimension_semantics<arbitrary>], iteration_bounds = array<i64: 4>, scalar_prefetch = 0 : i64, scratch_operands = 0 : i64, tpu.core_type = #tpu.core_type<tc>, window_params = [{transform_indices = @transform_0, window_bounds = array<i64: 4, 2048, 128>}, {transform_indices = @transform_1, window_bounds = array<i64: 2048, 512>}]} {
    %iota3A = tpu.iota {dimensions = array<i32: 0>} : vector<160x128xi32>
    %iota3A_0 = tpu.iota {dimensions = array<i32: 1>} : vector<160x128xi32>
    %lt3A = arith.constant 128 : i32
    %lt3A_1 = vector.broadcast %lt3A : i32 to vector<160x128xi32>
    %lt3A_2 = arith.cmpi slt, %iota3A, %lt3A_1 : vector<160x128xi32>
    %sub3A = arith.subi %iota3A_0, %iota3A : vector<160x128xi32>
    %lt3A_3 = arith.constant 144 : i32
    %lt3A_4 = vector.broadcast %lt3A_3 : i32 to vector<160x128xi32>
    %lt3A_5 = arith.cmpi slt, %iota3A, %lt3A_4 : vector<160x128xi32>
    %add3A = arith.constant 16 : i32
    %add3A_6 = vector.broadcast %add3A : i32 to vector<160x128xi32>
    %add3A_7 = arith.addi %iota3A_0, %add3A_6 : vector<160x128xi32>
    %sub3A_8 = arith.constant 128 : i32
    %sub3A_9 = vector.broadcast %sub3A_8 : i32 to vector<160x128xi32>
    %sub3A_10 = arith.subi %iota3A, %sub3A_9 : vector<160x128xi32>
    %sub3A_11 = arith.subi %add3A_7, %sub3A_10 : vector<160x128xi32>
    %sub3A_12 = arith.constant 128 : i32
    %sub3A_13 = vector.broadcast %sub3A_12 : i32 to vector<160x128xi32>
    %sub3A_14 = arith.subi %iota3A_0, %sub3A_13 : vector<160x128xi32>
    %sub3A_15 = arith.constant 144 : i32
    %sub3A_16 = vector.broadcast %sub3A_15 : i32 to vector<160x128xi32>
    %sub3A_17 = arith.subi %iota3A, %sub3A_16 : vector<160x128xi32>
    %sub3A_18 = arith.subi %sub3A_14, %sub3A_17 : vector<160x128xi32>
    %select_n3A = arith.select %lt3A_5, %sub3A_11, %sub3A_18 : vector<160x128xi1>, vector<160x128xi32>
    %select_n3A_19 = arith.select %lt3A_2, %sub3A, %select_n3A : vector<160x128xi1>, vector<160x128xi32>
    %convert_element_type3A = arith.sitofp %select_n3A_19 : vector<160x128xi32> to vector<160x128xf32>
    %mul3A = arith.constant 5.000000e-01 : f32
    %mul3A_20 = vector.broadcast %mul3A : f32 to vector<160x128xf32>
    %mul3A_21 = arith.mulf %convert_element_type3A, %mul3A_20 : vector<160x128xf32>
    %mul3A_22 = arith.constant -5.000000e-01 : f32
    %mul3A_23 = vector.broadcast %mul3A_22 : f32 to vector<160x128xf32>
    %mul3A_24 = arith.mulf %mul3A_23, %mul3A_21 : vector<160x128xf32>
    %mul3A_25 = arith.mulf %mul3A_24, %mul3A_21 : vector<160x128xf32>
    %exp3A = math.exp %mul3A_25 : vector<160x128xf32>
    %mul3A_26 = arith.constant 0.199471146 : f32
    %mul3A_27 = vector.broadcast %mul3A_26 : f32 to vector<160x128xf32>
    %mul3A_28 = arith.mulf %exp3A, %mul3A_27 : vector<160x128xf32>
    %slice3A = vector.extract_strided_slice %mul3A_28 {offsets = [0, 0], sizes = [128, 128], strides = [1, 1]} : vector<160x128xf32> to vector<128x128xf32>
    %slice3A_29 = vector.extract_strided_slice %mul3A_28 {offsets = [128, 0], sizes = [16, 128], strides = [1, 1]} : vector<160x128xf32> to vector<16x128xf32>
    %slice3A_30 = vector.extract_strided_slice %mul3A_28 {offsets = [144, 0], sizes = [16, 128], strides = [1, 1]} : vector<160x128xf32> to vector<16x128xf32>
    %get3A = arith.constant 0 : index
    %get3A_31 = arith.constant 0 : index
    %get3A_32 = arith.constant 0 : index
    %get3A_33 = vector.load %arg1[%get3A, %get3A_31, %get3A_32] : memref<4x2048x128xf32, #tpu.memory_space<vmem>>, vector<1x2048x128xf32>
    %get3A_34 = vector.shape_cast %get3A_33 : vector<1x2048x128xf32> to vector<2048x128xf32>
    %dot_general3A = arith.constant dense<0.000000e+00> : vector<2048x128xf32>
    %dot_general3A_35 = tpu.matmul %get3A_34, %slice3A, %dot_general3A {dimension_numbers = #tpu.dot_dimension_numbers<[1], [0], [0], [1], [0, 0, 1, 1], [], []>, transpose_lhs_hint = false} : vector<2048x128xf32>, vector<128x128xf32>, vector<2048x128xf32> -> vector<2048x128xf32>
    %get3A_36 = arith.constant 1 : index
    %get3A_37 = arith.constant 0 : index
    %get3A_38 = arith.constant 0 : index
    %get3A_39 = vector.load %arg1[%get3A_36, %get3A_37, %get3A_38] : memref<4x2048x128xf32, #tpu.memory_space<vmem>>, vector<1x2048x128xf32>
    %get3A_40 = vector.shape_cast %get3A_39 : vector<1x2048x128xf32> to vector<2048x128xf32>
    %slice3A_41 = vector.extract_strided_slice %get3A_40 {offsets = [0, 0], sizes = [2048, 16], strides = [1, 1]} : vector<2048x128xf32> to vector<2048x16xf32>
    %dot_general3A_42 = arith.constant dense<0.000000e+00> : vector<2048x128xf32>
    %dot_general3A_43 = tpu.matmul %slice3A_41, %slice3A_30, %dot_general3A_42 {dimension_numbers = #tpu.dot_dimension_numbers<[1], [0], [0], [1], [0, 0, 1, 1], [], []>, transpose_lhs_hint = false} : vector<2048x16xf32>, vector<16x128xf32>, vector<2048x128xf32> -> vector<2048x128xf32>
    %add3A_44 = arith.addf %dot_general3A_35, %dot_general3A_43 : vector<2048x128xf32>
    %swap3A = arith.constant 0 : index
    %swap3A_45 = arith.constant 0 : index
    %swap3A_46 = vector.load %arg2[%swap3A, %swap3A_45] : memref<2048x512xf32, #tpu.memory_space<vmem>>, vector<2048x128xf32>
    tpu.vector_store %arg2[%swap3A, %swap3A_45], %add3A_44 {strides = array<i32>} : memref<2048x512xf32, #tpu.memory_space<vmem>>, vector<2048x128xf32>,
    %get3A_47 = arith.constant 1 : index
    %get3A_48 = arith.constant 0 : index
    %get3A_49 = arith.constant 0 : index
    %get3A_50 = vector.load %arg1[%get3A_47, %get3A_48, %get3A_49] : memref<4x2048x128xf32, #tpu.memory_space<vmem>>, vector<1x2048x128xf32>
    %get3A_51 = vector.shape_cast %get3A_50 : vector<1x2048x128xf32> to vector<2048x128xf32>
    %dot_general3A_52 = arith.constant dense<0.000000e+00> : vector<2048x128xf32>
    %dot_general3A_53 = tpu.matmul %get3A_51, %slice3A, %dot_general3A_52 {dimension_numbers = #tpu.dot_dimension_numbers<[1], [0], [0], [1], [0, 0, 1, 1], [], []>, transpose_lhs_hint = false} : vector<2048x128xf32>, vector<128x128xf32>, vector<2048x128xf32> -> vector<2048x128xf32>
    %get3A_54 = arith.constant 0 : index
    %get3A_55 = arith.constant 0 : index
    %get3A_56 = arith.constant 0 : index
    %get3A_57 = vector.load %arg1[%get3A_54, %get3A_55, %get3A_56] : memref<4x2048x128xf32, #tpu.memory_space<vmem>>, vector<1x2048x128xf32>
    %get3A_58 = vector.shape_cast %get3A_57 : vector<1x2048x128xf32> to vector<2048x128xf32>
    %slice3A_59 = vector.extract_strided_slice %get3A_58 {offsets = [0, 112], sizes = [2048, 16], strides = [1, 1]} : vector<2048x128xf32> to vector<2048x16xf32>
    %dot_general3A_60 = arith.constant dense<0.000000e+00> : vector<2048x128xf32>
    %dot_general3A_61 = tpu.matmul %slice3A_59, %slice3A_29, %dot_general3A_60 {dimension_numbers = #tpu.dot_dimension_numbers<[1], [0], [0], [1], [0, 0, 1, 1], [], []>, transpose_lhs_hint = false} : vector<2048x16xf32>, vector<16x128xf32>, vector<2048x128xf32> -> vector<2048x128xf32>
    %add3A_62 = arith.addf %dot_general3A_53, %dot_general3A_61 : vector<2048x128xf32>
    %get3A_63 = arith.constant 2 : index
    %get3A_64 = arith.constant 0 : index
    %get3A_65 = arith.constant 0 : index
    %get3A_66 = vector.load %arg1[%get3A_63, %get3A_64, %get3A_65] : memref<4x2048x128xf32, #tpu.memory_space<vmem>>, vector<1x2048x128xf32>
    %get3A_67 = vector.shape_cast %get3A_66 : vector<1x2048x128xf32> to vector<2048x128xf32>
    %slice3A_68 = vector.extract_strided_slice %get3A_67 {offsets = [0, 0], sizes = [2048, 16], strides = [1, 1]} : vector<2048x128xf32> to vector<2048x16xf32>
    %dot_general3A_69 = arith.constant dense<0.000000e+00> : vector<2048x128xf32>
    %dot_general3A_70 = tpu.matmul %slice3A_68, %slice3A_30, %dot_general3A_69 {dimension_numbers = #tpu.dot_dimension_numbers<[1], [0], [0], [1], [0, 0, 1, 1], [], []>, transpose_lhs_hint = false} : vector<2048x16xf32>, vector<16x128xf32>, vector<2048x128xf32> -> vector<2048x128xf32>
    %add3A_71 = arith.addf %add3A_62, %dot_general3A_70 : vector<2048x128xf32>
    %swap3A_72 = arith.constant 0 : index
    %swap3A_73 = arith.constant 128 : index
    %swap3A_74 = vector.load %arg2[%swap3A_72, %swap3A_73] : memref<2048x512xf32, #tpu.memory_space<vmem>>, vector<2048x128xf32>
    tpu.vector_store %arg2[%swap3A_72, %swap3A_73], %add3A_71 {strides = array<i32>} : memref<2048x512xf32, #tpu.memory_space<vmem>>, vector<2048x128xf32>,
    %get3A_75 = arith.constant 2 : index
    %get3A_76 = arith.constant 0 : index
    %get3A_77 = arith.constant 0 : index
    %get3A_78 = vector.load %arg1[%get3A_75, %get3A_76, %get3A_77] : memref<4x2048x128xf32, #tpu.memory_space<vmem>>, vector<1x2048x128xf32>
    %get3A_79 = vector.shape_cast %get3A_78 : vector<1x2048x128xf32> to vector<2048x128xf32>
    %dot_general3A_80 = arith.constant dense<0.000000e+00> : vector<2048x128xf32>
    %dot_general3A_81 = tpu.matmul %get3A_79, %slice3A, %dot_general3A_80 {dimension_numbers = #tpu.dot_dimension_numbers<[1], [0], [0], [1], [0, 0, 1, 1], [], []>, transpose_lhs_hint = false} : vector<2048x128xf32>, vector<128x128xf32>, vector<2048x128xf32> -> vector<2048x128xf32>
    %get3A_82 = arith.constant 1 : index
    %get3A_83 = arith.constant 0 : index
    %get3A_84 = arith.constant 0 : index
    %get3A_85 = vector.load %arg1[%get3A_82, %get3A_83, %get3A_84] : memref<4x2048x128xf32, #tpu.memory_space<vmem>>, vector<1x2048x128xf32>
    %get3A_86 = vector.shape_cast %get3A_85 : vector<1x2048x128xf32> to vector<2048x128xf32>
    %slice3A_87 = vector.extract_strided_slice %get3A_86 {offsets = [0, 112], sizes = [2048, 16], strides = [1, 1]} : vector<2048x128xf32> to vector<2048x16xf32>
    %dot_general3A_88 = arith.constant dense<0.000000e+00> : vector<2048x128xf32>
    %dot_general3A_89 = tpu.matmul %slice3A_87, %slice3A_29, %dot_general3A_88 {dimension_numbers = #tpu.dot_dimension_numbers<[1], [0], [0], [1], [0, 0, 1, 1], [], []>, transpose_lhs_hint = false} : vector<2048x16xf32>, vector<16x128xf32>, vector<2048x128xf32> -> vector<2048x128xf32>
    %add3A_90 = arith.addf %dot_general3A_81, %dot_general3A_89 : vector<2048x128xf32>
    %get3A_91 = arith.constant 3 : index
    %get3A_92 = arith.constant 0 : index
    %get3A_93 = arith.constant 0 : index
    %get3A_94 = vector.load %arg1[%get3A_91, %get3A_92, %get3A_93] : memref<4x2048x128xf32, #tpu.memory_space<vmem>>, vector<1x2048x128xf32>
    %get3A_95 = vector.shape_cast %get3A_94 : vector<1x2048x128xf32> to vector<2048x128xf32>
    %slice3A_96 = vector.extract_strided_slice %get3A_95 {offsets = [0, 0], sizes = [2048, 16], strides = [1, 1]} : vector<2048x128xf32> to vector<2048x16xf32>
    %dot_general3A_97 = arith.constant dense<0.000000e+00> : vector<2048x128xf32>
    %dot_general3A_98 = tpu.matmul %slice3A_96, %slice3A_30, %dot_general3A_97 {dimension_numbers = #tpu.dot_dimension_numbers<[1], [0], [0], [1], [0, 0, 1, 1], [], []>, transpose_lhs_hint = false} : vector<2048x16xf32>, vector<16x128xf32>, vector<2048x128xf32> -> vector<2048x128xf32>
    %add3A_99 = arith.addf %add3A_90, %dot_general3A_98 : vector<2048x128xf32>
    %swap3A_100 = arith.constant 0 : index
    %swap3A_101 = arith.constant 256 : index
    %swap3A_102 = vector.load %arg2[%swap3A_100, %swap3A_101] : memref<2048x512xf32, #tpu.memory_space<vmem>>, vector<2048x128xf32>
    tpu.vector_store %arg2[%swap3A_100, %swap3A_101], %add3A_99 {strides = array<i32>} : memref<2048x512xf32, #tpu.memory_space<vmem>>, vector<2048x128xf32>,
    %get3A_103 = arith.constant 3 : index
    %get3A_104 = arith.constant 0 : index
    %get3A_105 = arith.constant 0 : index
    %get3A_106 = vector.load %arg1[%get3A_103, %get3A_104, %get3A_105] : memref<4x2048x128xf32, #tpu.memory_space<vmem>>, vector<1x2048x128xf32>
    %get3A_107 = vector.shape_cast %get3A_106 : vector<1x2048x128xf32> to vector<2048x128xf32>
    %dot_general3A_108 = arith.constant dense<0.000000e+00> : vector<2048x128xf32>
    %dot_general3A_109 = tpu.matmul %get3A_107, %slice3A, %dot_general3A_108 {dimension_numbers = #tpu.dot_dimension_numbers<[1], [0], [0], [1], [0, 0, 1, 1], [], []>, transpose_lhs_hint = false} : vector<2048x128xf32>, vector<128x128xf32>, vector<2048x128xf32> -> vector<2048x128xf32>
    %get3A_110 = arith.constant 2 : index
    %get3A_111 = arith.constant 0 : index
    %get3A_112 = arith.constant 0 : index
    %get3A_113 = vector.load %arg1[%get3A_110, %get3A_111, %get3A_112] : memref<4x2048x128xf32, #tpu.memory_space<vmem>>, vector<1x2048x128xf32>
    %get3A_114 = vector.shape_cast %get3A_113 : vector<1x2048x128xf32> to vector<2048x128xf32>
    %slice3A_115 = vector.extract_strided_slice %get3A_114 {offsets = [0, 112], sizes = [2048, 16], strides = [1, 1]} : vector<2048x128xf32> to vector<2048x16xf32>
    %dot_general3A_116 = arith.constant dense<0.000000e+00> : vector<2048x128xf32>
    %dot_general3A_117 = tpu.matmul %slice3A_115, %slice3A_29, %dot_general3A_116 {dimension_numbers = #tpu.dot_dimension_numbers<[1], [0], [0], [1], [0, 0, 1, 1], [], []>, transpose_lhs_hint = false} : vector<2048x16xf32>, vector<16x128xf32>, vector<2048x128xf32> -> vector<2048x128xf32>
    %add3A_118 = arith.addf %dot_general3A_109, %dot_general3A_117 : vector<2048x128xf32>
    %swap3A_119 = arith.constant 0 : index
    %swap3A_120 = arith.constant 384 : index
    %swap3A_121 = vector.load %arg2[%swap3A_119, %swap3A_120] : memref<2048x512xf32, #tpu.memory_space<vmem>>, vector<2048x128xf32>
    tpu.vector_store %arg2[%swap3A_119, %swap3A_120], %add3A_118 {strides = array<i32>} : memref<2048x512xf32, #tpu.memory_space<vmem>>, vector<2048x128xf32>,
    return
  }
  func.func @transform_0(%arg0: i32) -> (i32, i32, i32) {
    %c0_i32 = arith.constant 0 : i32
    %c0_i32_0 = arith.constant 0 : i32
    %c0_i32_1 = arith.constant 0 : i32
    return %c0_i32, %arg0, %c0_i32_0 : i32, i32, i32
  }
  func.func @transform_1(%arg0: i32) -> (i32, i32) {
    %c0_i32 = arith.constant 0 : i32
    %c0_i32_0 = arith.constant 0 : i32
    return %arg0, %c0_i32 : i32, i32
  }
}

</mosaic_0001>

<sc_bundles>
// kernel: kernel.4.cloned.1.call-start
scs
__scs_entry_jumppad:
0x0: {  	(pc) =	sbr.rel $0x88, $3  }
0x1: {  	(tag) =	ssettag $0x0;
	lr =	simm.s32 $0x1  }
0x2: {  	[smem:$0x3F9F] =	sst lr;
	_ =	strace $0xD0000000  }
0x3: {  	_ = 	snop  }
0x4: {  	_ = 	snop  }
0x5: {  	_ = 	snop  }
0x6: {  	_ = 	snop  }
0x7: {  	_ = 	snop  }
__scs_overlays_trampoline_lowered:
0x8: {  	[smem:$0x3FAE] =	sst s0  }
0x9: {  	[smem:$0x3FAF] =	sst s1  }
0xa: {  	[smem:$0x3FB0] =	sst s2  }
0xb: {  	[smem:$0x3FB1] =	sst s3  }
0xc: {  	[smem:$0x3FB2] =	sst s4  }
0xd: {  	[smem:$0x3FB3] =	sst s5  }
0xe: {  	[smem:$0x3FB4] =	sst s6  }
0xf: {  	[smem:$0x3FB5] =	sst s7  }
0x10: {  	[smem:$0x3FB6] =	sst s8  }
0x11: {  	[smem:$0x3FB7] =	sst s9;
	s0 =	simm.s32 @!p0 $0x0  }
0x12: {  	s1 =	sld [smem:$0x3F9D];
	s0 =	simm.s32 @p0 $0x1  }
0x13: {  	[smem:$0x3FB8] =	sst s0;
	s0 =	simm.s32 @!p1 $0x0  }
0x14: {  	s2 =	sld [smem:$0x3F9C];
	s0 =	simm.s32 @p1 $0x1  }
0x15: {  	[smem:$0x3FB9] =	sst s0;
	s0 =	simm.s32 @!p2 $0x0  }
0x16: {  	s3 =	sld [smem:$0x3FDB];
	s0 =	simm.s32 @p2 $0x1  }
0x17: {  	s4 =	simm.s32 $0x1BF5;
	[smem:$0x3FBB] =	sst s0  }
0x18: {  	s0 =	sld [smem:$0x3F9E];
	_ =	swait.ge [sflag:s4], $0x0  }
0x19: {  	s7 =	sld [smem:$0x3F9F]  }
0x1a: {  	s8 =	sadd.s32 $0xFFFFE003, lr  }
0x1b: {  	s9 =	sadd.s32 $0xFFFFFEF7, lr;
	s5 =	simm.s32 $0xFFFFFFFF;
	p2 =	slt.u32 s8, $0xFFFFF086  }
0x1c: {  	p1 =	slt.u32 s9, $0xF7A;
	s5 =	simm.s32 @!p2 $0x0  }
0x1d: {  	s5 =	simm.s32 @p1 $0x1;
	p0 =	seq.s32 s7, s2  }
0x1e: {  	s7 =	smul.u32 @!p0 $0xF7A, s2;
	p2 =	seq.s32 @!p0 s5, $0x0  }
0x1f: {  	s9 =	smul.u32 $0xF7A, s1;
	s8 =	simm.s32 @!p0 $0x1BF5;
	p2 =	por !p2, p0  }
0x20: {  	[sflag:s8] =	ssyncset.s32 @!p0 $0xFFFFF086;
	s6 =	sadd.s32 @!p0 s3, s7;
	s7 =	simm.s32 @!p0 $0x108  }
0x21: {  	s3 =	sadd.s32 s3, s9;
	s6 =	sadd.s32 @!p0 $0x88, s6;
	s7 =	simm.s32 @p2 $0x1082  }
0x22: {  	[simem:s7], [sflag:s8] =	dma.local @!p0 [hbm:s6], $0xF7A  }
0x23: {  	s9 =	sor.u32 $0xD0000000, s2;
	s6 =	simm.s32 $0x108;
	_ =	swait.ge @!p0 [sflag:s8], $0x0  }
0x24: {  	s3 =	sadd.s32 $0x88, s3;
	s6 =	simm.s32 @!p1 $0x1082;
	[sflag:s4] =	ssyncset.s32 $0xFFFFF086  }
0x25: {  	[simem:s6], [sflag:s4] =	dma.local [hbm:s3], $0xF7A  }
0x26: {  	[smem:$0x3F9F] =	sst s1;
	(tag) =	ssettag s2;
	_ =	strace s9  }
0x27: {  	s1 =	sld [smem:$0x3FAF]  }
0x28: {  	s2 =	sld [smem:$0x3FB0]  }
0x29: {  	s4 =	sld [smem:$0x3FB2]  }
0x2a: {  	p0 =	seq.s32 s5, $0x0;
	s5 =	sld [smem:$0x3FB3]  }
0x2b: {  	s6 =	sld [smem:$0x3FB4]  }
0x2c: {  	s7 =	sld [smem:$0x3FB5]  }
0x2d: {  	s3 =	simm.s32 $0x108;
	s8 =	sld [smem:$0x3FB6]  }
0x2e: {  	s3 =	simm.s32 @!p0 $0x1082;
	s9 =	sld [smem:$0x3FB7]  }
0x2f: {  	lr =	sadd.s32 s0, s3;
	s0 =	sld [smem:$0x3FAE]  }
0x30: {  	s3 =	sld [smem:$0x3FB1]  }
0x31: {  	[smem:$0x3FBA] =	sst s10  }
0x32: {  	s10 =	sld [smem:$0x3FB8];
	_ =	sdelay $0x3  }
0x33: {  	p0 =	seq.s32 s10, $0x1;
	s10 =	sld [smem:$0x3FBA];
	_ =	sdelay $0x3  }
0x34: {  	[smem:$0x3FBA] =	sst s10  }
0x35: {  	s10 =	sld [smem:$0x3FB9];
	_ =	sdelay $0x3  }
0x36: {  	p1 =	seq.s32 s10, $0x1;
	s10 =	sld [smem:$0x3FBA];
	_ =	sdelay $0x3  }
0x37: {  	[smem:$0x3FBA] =	sst s10  }
0x38: {  	s10 =	sld [smem:$0x3FBB]  }
0x39: {  	_ = 	snop;
	(pc) =	sbr.ind lr, $3  }
0x3a: {  	_ = 	snop  }
0x3b: {  	_ = 	snop  }
0x3c: {  	p2 =	seq.s32 s10, $0x1;
	s10 =	sld [smem:$0x3FBA]  }
0x3d: {  	_ =	shalt  }
0x3e: {  	_ =	shalt  }
0x3f: {  	_ =	shalt  }
0x40: {  	_ =	shalt  }
0x41: {  	_ =	shalt  }
0x42: {  	_ =	shalt  }
0x43: {  	_ =	shalt  }
0x44: {  	_ =	shalt  }
0x45: {  	_ =	shalt  }
0x46: {  	_ =	shalt  }
0x47: {  	_ =	shalt  }
0x48: {  	_ =	shalt  }
0x49: {  	_ =	shalt  }
0x4a: {  	_ =	shalt  }
0x4b: {  	_ =	shalt  }
0x4c: {  	_ =	shalt  }
0x4d: {  	_ =	shalt  }
0x4e: {  	_ =	shalt  }
0x4f: {  	_ =	shalt  }
0x50: {  	_ =	shalt  }
0x51: {  	_ =	shalt  }
0x52: {  	_ =	shalt  }
0x53: {  	_ =	shalt  }
0x54: {  	_ =	shalt  }
0x55: {  	_ =	shalt  }
0x56: {  	_ =	shalt  }
0x57: {  	_ =	shalt  }
0x58: {  	_ =	shalt  }
0x59: {  	_ =	shalt  }
0x5a: {  	_ =	shalt  }
0x5b: {  	_ =	shalt  }
0x5c: {  	_ =	shalt  }
0x5d: {  	_ =	shalt  }
0x5e: {  	_ =	shalt  }
0x5f: {  	_ =	shalt  }
0x60: {  	_ =	shalt  }
0x61: {  	_ =	shalt  }
0x62: {  	_ =	shalt  }
0x63: {  	_ =	shalt  }
0x64: {  	_ =	shalt  }
0x65: {  	_ =	shalt  }
0x66: {  	_ =	shalt  }
0x67: {  	_ =	shalt  }
0x68: {  	_ =	shalt  }
0x69: {  	_ =	shalt  }
0x6a: {  	_ =	shalt  }
0x6b: {  	_ =	shalt  }
0x6c: {  	_ =	shalt  }
0x6d: {  	_ =	shalt  }
0x6e: {  	_ =	shalt  }
0x6f: {  	_ =	shalt  }
0x70: {  	_ =	shalt  }
0x71: {  	_ =	shalt  }
0x72: {  	_ =	shalt  }
0x73: {  	_ =	shalt  }
0x74: {  	_ =	shalt  }
0x75: {  	_ =	shalt  }
0x76: {  	_ =	shalt  }
0x77: {  	_ =	shalt  }
0x78: {  	_ =	shalt  }
0x79: {  	_ =	shalt  }
0x7a: {  	_ =	shalt  }
0x7b: {  	_ =	shalt  }
0x7c: {  	_ =	shalt  }
0x7d: {  	_ =	shalt  }
0x7e: {  	_ =	shalt  }
0x7f: {  	_ =	shalt  }
0x80: {  	_ =	shalt  }
0x81: {  	_ =	shalt  }
0x82: {  	_ =	shalt  }
0x83: {  	_ =	shalt  }
0x84: {  	_ =	shalt  }
0x85: {  	_ =	shalt  }
0x86: {  	_ =	shalt  }
0x87: {  	_ =	shalt  }
.Lfunc_end0:
.L_simem_size_0:
called_computation_lowered:
.L_overlay_start_0:
0x88: {  	s2 =	sld [smem:$0x3FD9]  }
0x89: {  	s3 =	sld [smem:$0x3FFE];
	_ =	sdelay $0x1  }
0x8a: {  	s1 =	srdreg.scid  }
0x8b: {  	s0 =	sand.u32 $0x1, s1  }
0x8c: {  	s17 =	sshll.u32 s0, $0xA;
	s2 =	sadd.s32 s3, s2  }
0x8d: {  	s2 =	sadd.s32 s2, s17  }
0x8e: {  	[smem:$0x3FC6] =	sst s2  }
0x8f: {  	_ = 	snop  }
0x90: {  	s2 =	sld [smem:$0x3FC8]  }
0x91: {  	s18 =	sld [smem:$0x3FD0];
	(tm) =	ssettm $0x1  }
0x92: {  	s4 =	sld [smem:$0x3FFB];
	_ =	sdelay $0x3  }
0x93: {  	_ =	strace s4  }
0x94: {  	s4 =	sld [smem:$0x3FFC];
	_ =	sdelay $0x3  }
0x95: {  	_ =	strace s4  }
0x96: {  	s4 =	sld [smem:$0x3FFD];
	_ =	sdelay $0x3  }
0x97: {  	_ =	strace s4  }
0x98: {  	_ =	strace $0x8FFFFFFF  }
0x99: {  	s19 =	sld [smem:$0x3FDB];
	_ =	sdelay $0x1  }
0x9a: {  	s5 =	simm.s32 $_scs_section_size  }
0x9b: {  	s6 =	simm.s32 $_size__tile_overlayer_lowered;
	s7 =	simm.s32 $_tile_overlayer_lowered  }
0x9c: {  	s22 =	simm.s32 $0x1BFF;
	s21 =	sshll.u32 s7, $0x1;
	s4 =	sadd.s32 s5, s19  }
0x9d: {  	s8 =	simm.s32 $0x0;
	s20 =	sshll.u32 s6, $0x1;
	s6 =	sadd.s32 s21, s4  }
0x9e: {  	[timem:s8], [sflag:s22] =	dma.local [hbm:s6], s20  }
0x9f: {  	_ =	swait.ge [sflag:s22], s20  }
0xa0: {  	s5 =	ssub.s32 $0x0, s20;
	[sflag:s22] =	ssyncset.done $0x0  }
0xa1: {  	[sflag:s22] =	ssyncadd.s32 s5;
	_ =	sdelay $0x1  }
0xa2: {  	s23 =	simm.s32 $0x1B8B  }
0xa3: {  	_ =	swait.ge [sflag:s23], $0x1  }
0xa4: {  	[sflag:s23] =	ssyncset.done $0x0  }
0xa5: {  	s25 =	simm.s32 $0x1B8E;
	s24 =	sld [smem:$0x3FFE];
	[sflag:s23] =	ssyncadd.s32 $0xFFFFFFFF  }
0xa6: {  	s26 =	simm.s32 $execute0_lowered;
	[smem:$0x3FD2] =	sst s25  }
0xa7: {  	s6 =	sshll.u32 s26, $0x1;
	_ =	strace $0x80000046;
	[dreg:$0x1] =	wrdreg $0xFFFFFFFF  }
0xa8: {  	s28 =	simm.s32 $_size_execute0_lowered;
	s4 =	sadd.s32 s4, s6;
	[dreg:$0x0] =	wrdreg $0x0  }
0xa9: {  	s6 =	sshll.u32 s28, $0x1;
	[dreg:$0x2] =	wrdreg s4  }
0xaa: {  	[dreg:$0x3] =	wrdreg s6  }
0xab: {  	[dreg:$0x4] =	wrdreg $0xC0  }
0xac: {  	_ =	task [dreg:s8], $0x5FFFF  }
0xad: {  	[dreg:$0x1] =	wrdreg $0xFFFFFFFF  }
0xae: {  	[dreg:$0x0] =	wrdreg $0x60  }
0xaf: {  	[dreg:$0x2] =	wrdreg s24  }
0xb0: {  	[dreg:$0x3] =	wrdreg s2  }
0xb1: {  	[dreg:$0x4] =	wrdreg s18  }
0xb2: {  	[dreg:$0x5] =	wrdreg $0x9  }
0xb3: {  	_ =	task.clear_ibuf [dreg:s8], $0x6FFFF;
	_ =	strace $0x90000046  }
0xb4: {  	s29 =	simm.s32 $0x9;
	_ =	strace $0x80000048  }
0xb5: {  	_ =	swait.ge [sflag:s29], $0x1  }
0xb6: {  	[sflag:s29] =	ssyncadd.s32 $0xFFFFFFFF  }
0xb7: {  	_ =	strace $0x90000048  }
0xb8: {  	_ =	sfence  }
0xb9: {  	s30 =	sld [smem:$0x0];
	_ =	sdelay $0x2  }
0xba: {  	s31 =	sshll.u32 s1, $0xD;
	s1 =	sshrl.u32 s1, $0x2  }
0xbb: {  	s3 =	sand.u32 $0x4000, s31;
	s1 =	sadd.s32 s1, s30  }
0xbc: {  	s0 =	sor.u32 s3, s0;
	s1 =	sshll.u32 s1, $0x11  }
0xbd: {  	s0 =	sor.u32 s1, s0  }
0xbe: {  	s0 =	sadd.s32 $0x8F2B, s0  }
0xbf: {  	[sflag:s0] =	ssyncadd.remote.s32 $0x1  }
0xc0: {  	_ =	sfence.sel $0xFFFF  }
0xc1: {  	[dreg:$0x0] =	wrdreg $0xFFFFFFFF;
	(pc) =	sbr.abs _section_cstart, $3  }
0xc2: {  	[dreg:$0x1] =	wrdreg $0xFFFFFFFF  }
0xc3: {  	_ =	task.clear_ibuf [dreg:s8], $0x2FFFF;
	_ =	strace $0x9FFFFFFF  }
0xc4: {  	(tm) =	ssettm $0x7FFFFFFF  }
0xc5: {  	_ =	shalt  }
tec
execute0_lowered:
.L_overlay_start_1:
0x0: {  	(tag) =	ssettag $0x1  }
0x1: {  	s0 =	rddreg [dreg:$0x0]  }
0x2: {  	s1 =	rddreg [dreg:$0x1]  }
0x3: {  	s15 =	rddreg [dreg:$0x2];
	s2 =	simm.s32 $0x0;
	s3 =	srdreg.scid  }
0x4: {  	s8 =	stileid.u32;
	s18 =	simm.s32 $0x7;
	s21 =	simm.s32 $0x3  }
0x5: {  	s22 =	simm.s32 $0x4000;
	s23 =	simm.s32 $0x1;
	s24 =	simm.s32 $0x8000  }
0x6: {  	s30 =	simm.s32 $0x4;
	s31 =	simm.s32 $0x5;
	[smem:$0x7FF] =	sst s2  }
0x7: {  	s3 =	sand.u32 $0x1, s3;
	s5 =	sshll.u32 s8, $0x9;
	s8 =	sshll.u32 s8, $0x1  }
0x8: {  	_ =	strace $0x80000047;
	s4 =	ssub.s32 $0x2, s3;
	s6 =	sadd.s32 s5, s0  }
0x9: {  	s0 =	sadd.s32 $0x4C00, s0;
	s8 =	sor.u32 s3, s8;
	s25 =	sshll.u32 s3, $0xD  }
0xa: {  	s7 =	sshrl.u32 s4, $0x1;
	s3 =	sadd.s32 $0x2C00, s6;
	s9 =	sadd.s32 s0, s5  }
0xb: {  	s5 =	sadd.s32 s1, s5;
	s26 =	sshll.u32 s8, $0x11;
	s28 =	sshll.u32 s8, $0xE  }
0xc: {  	s1 =	simm.s32 $0x0;
	s16 =	ssub.s32 s4, s7;
	s4 =	sadd.s32 $0xC00, s6  }
0xd: {  	s6 =	sadd.s32 s25, s9;
	s7 =	sadd.s32 s0, s25;
	s10 =	sadd.s32 s15, s28  }
0xe: {  	s29 =	sor.u32 $0x10000, s26;
	s25 =	simm.s32 $0x2;
	s0 =	simm.s32 $0x6  }
0xf: {  	s8 =	sadd.s32 $0x800, s7;
	s9 =	sadd.s32 $0x1000, s7;
	s11 =	sadd.s32 $0x1800, s7  }
0x10: {  	v3 =	vlaneseq.u32;
	v2 =	vimm.f32 $0.0e+00;
	v4 =	vimm.f32 $1.000000000e+00;
	s12 =	sadd.s32 $0x800, s10;
	s13 =	sadd.s32 $0x1000, s10;
	s17 =	sshrl.u32 s29, $0x3  }
0x11: {  	v3 =	vor.u32 $0x10000, v3;
	v0 =	vmov s26;
	s14 =	sadd.s32 $0x1800, s10;
	s16 =	smax.u32 s16, $0x1;
	v1 =	vmov s29;
	s15 =	sadd.s32 s15, s17  }
.LBB2_1:
0x12: {  	s17 =	simm.s32 $0x18080  }
0x13: {  	[tilespmem:s17], [sflag:$0x7] =	stream.linear.gather [hbm4b:s3+s2], $0x1000, $0x38;
	[tilespmem:$0x1B080] =	vst v63  }
0x14: {  	_ =	swait.ge [sflag:s18], $0x1000  }
0x15: {  	[sflag:s18] =	ssyncset.done $0x0  }
0x16: {  	s20 =	simm.s32 $0x19080;
	[sflag:s18] =	ssyncadd.s32 $0xFFFFF000  }
0x17: {  	[tilespmem:s20], [sflag:$0x7] =	stream.linear.gather [hbm4b:s4+s2], $0x1000, $0x38;
	[tilespmem:$0x1B080] =	vst v63  }
0x18: {  	_ =	swait.ge [sflag:s18], $0x1000  }
0x19: {  	[sflag:s18] =	ssyncset.done $0x0  }
0x1a: {  	s26 =	simm.s32 $0x1A080;
	[sflag:s18] =	ssyncadd.s32 $0xFFFFF000  }
0x1b: {  	[tilespmem:s26], [sflag:$0x7] =	stream.linear.gather [hbm4b:s5+s2], $0x1000, $0x38;
	[tilespmem:$0x1B080] =	vst v63  }
0x1c: {  	_ =	swait.ge [sflag:s18], $0x1000  }
0x1d: {  	[sflag:s18] =	ssyncset.done $0x0  }
0x1e: {  	s20 =	simm.s32 $0x180C0;
	[sflag:s18] =	ssyncadd.s32 $0xFFFFF000  }
0x1f: {  	s17 =	simm.s32 $0x190C0;
	v5 =	vld [tilespmem:s20+$0x30]  }
0x20: {  	v6 =	vld [tilespmem:s17+$0x30]  }
0x21: {  	v7 =	vld [tilespmem:s17+$0xFFFFFFC0]  }
0x22: {  	v8 =	vld [tilespmem:s20+$0xFFFFFFD0]  }
0x23: {  	s19 =	simm.s32 $0x1A0C0;
	v9 =	vld [tilespmem:s17+$0xFFFFFFD0]  }
0x24: {  	v10 =	vld [tilespmem:s19+$0x30]  }
0x25: {  	v11 =	vld [tilespmem:s20+$0xFFFFFFE0]  }
0x26: {  	v12 =	vld [tilespmem:s17+$0xFFFFFFE0];
	v6 =	vtrunc.f32 v6  }
0x27: {  	v13 =	vld [tilespmem:s20+$0xFFFFFFF0];
	v5 =	vtrunc.f32 v5;
	v7 =	vtrunc.f32 v7  }
0x28: {  	v16 =	vld [tilespmem:s20+$0x0];
	v6 =	vcvt.f32.s32 v6;
	v5 =	vcvt.f32.s32 v5  }
0x29: {  	v14 =	vld [tilespmem:s17+$0xFFFFFFF0];
	v8 =	vtrunc.f32 v8;
	v9 =	vtrunc.f32 v9;
	v10 =	vshll.u32 v10, $0x10  }
0x2a: {  	v18 =	vld [tilespmem:s20+$0xFFFFFFC0];
	v11 =	vtrunc.f32 v11;
	v6 =	vshll.u32 v6, $0x7;
	v15 =	vand.u32 $0x7F, v5  }
0x2b: {  	v7 =	vcvt.f32.s32 v7;
	v8 =	vcvt.f32.s32 v8;
	v6 =	vor.u32 v15, v6;
	v15 =	vld [tilespmem:s17+$0x0]  }
0x2c: {  	v5 =	vshll.u32 v5, $0xD;
	v6 =	vadd.s32 v10, v6;
	v10 =	vtrunc.f32 v12;
	v12 =	vld [tilespmem:s20+$0x10]  }
0x2d: {  	v20 =	vcvt.f32.s32 v11;
	v11 =	vtrunc.f32 v16;
	v16 =	vld [tilespmem:s17+$0x20];
	v5 =	vand.u32 $0xFFF00000, v5  }
0x2e: {  	v9 =	vcvt.f32.s32 v9;
	v24 =	vcvt.f32.s32 v11;
	v19 =	vadd.s32 v5, v6;
	v6 =	vld [tilespmem:s17+$0x10]  }
0x2f: {  	v7 =	vshll.u32 v7, $0x7;
	v5 =	vtrunc.f32 v13;
	v13 =	vtrunc.f32 v14;
	v14 =	vld [tilespmem:s20+$0x20]  }
0x30: {  	v17 =	vand.u32 $0x7F, v8;
	v10 =	vcvt.f32.s32 v10;
	v22 =	vcvt.f32.s32 v5  }
0x31: {  	v9 =	vshll.u32 v9, $0x7;
	v15 =	vtrunc.f32 v15;
	v5 =	vtrunc.f32 v12  }
0x32: {  	v21 =	vand.u32 $0x7F, v20;
	v12 =	vcvt.f32.s32 v13;
	v13 =	vcvt.f32.s32 v15  }
0x33: {  	v10 =	vshll.u32 v10, $0x7;
	v15 =	vtrunc.f32 v18;
	v6 =	vtrunc.f32 v6  }
0x34: {  	v23 =	vand.u32 $0x7F, v22;
	v11 =	vtrunc.f32 v14;
	v14 =	vtrunc.f32 v16  }
0x35: {  	v31 =	vld [tilespmem:s19+$0xFFFFFFF0];
	v18 =	vand.u32 $0x7F, v24;
	v26 =	vcvt.f32.s32 v5;
	v5 =	vcvt.f32.s32 v15  }
0x36: {  	v33 =	vld [tilespmem:s19+$0x10];
	v12 =	vshll.u32 v12, $0x7;
	v15 =	vshll.u32 v13, $0x7;
	v6 =	vcvt.f32.s32 v6  }
0x37: {  	v25 =	vld [tilespmem:s19+$0xFFFFFFC0];
	v30 =	vcvt.f32.s32 v11;
	v13 =	vcvt.f32.s32 v14;
	v11 =	vor.u32 v17, v9  }
0x38: {  	v27 =	vld [tilespmem:s19+$0xFFFFFFD0];
	v29 =	vand.u32 $0x7F, v26;
	v14 =	vand.u32 $0x7F, v5;
	v12 =	vor.u32 v23, v12  }
0x39: {  	v32 =	vld [tilespmem:s19+$0x0];
	v9 =	vor.u32 v18, v15;
	v17 =	vshll.u32 v5, $0xD;
	v18 =	vshll.u32 v8, $0xD  }
0x3a: {  	v28 =	vld [tilespmem:s19+$0xFFFFFFE0];
	s20 =	simm.s32 $0x40;
	v15 =	vshll.u32 v20, $0xD;
	v8 =	vshll.u32 v26, $0xD;
	v23 =	vshll.u32 v31, $0x10  }
0x3b: {  	[tilespmem:s20+$0x30] =	vst v19;
	v19 =	vld [tilespmem:s19+$0x20];
	v20 =	vshll.u32 v33, $0x10;
	v6 =	vshll.u32 v6, $0x7;
	v16 =	vor.u32 v14, v7  }
0x3c: {  	v7 =	vshll.u32 v13, $0x7;
	v14 =	vand.u32 $0x7F, v30;
	v13 =	vor.u32 v21, v10  }
0x3d: {  	v10 =	vshll.u32 v24, $0xD;
	v24 =	vshll.u32 v25, $0x10;
	v25 =	vshll.u32 v27, $0x10  }
0x3e: {  	v21 =	vshll.u32 v32, $0x10;
	v6 =	vor.u32 v29, v6;
	v5 =	vor.u32 v14, v7  }
0x3f: {  	s28 =	simm.s32 $0x0;
	s29 =	simm.s32 $0x18140;
	s26 =	simm.s32 $0x40;
	v14 =	vshll.u32 v22, $0xD;
	v7 =	vshll.u32 v30, $0xD;
	v22 =	vshll.u32 v28, $0x10  }
.LBB2_2:
0x40: {  	v26 =	vld [tilespmem:s29+$0x30];
	v16 =	vadd.s32 v24, v16;
	v11 =	vadd.s32 v25, v11;
	v19 =	vshll.u32 v19, $0x10;
	s17 =	sadd.s32 $0x80, s17  }
0x41: {  	s28 =	sadd.s32 $0x8, s28;
	v13 =	vadd.s32 v22, v13;
	v12 =	vadd.s32 v23, v12;
	v9 =	vadd.s32 v21, v9;
	v24 =	vld [tilespmem:s17+$0x30]  }
0x42: {  	v17 =	vand.u32 $0xFFF00000, v17;
	v6 =	vadd.s32 v20, v6;
	p0 =	slt.u32 s28, $0xF8;
	v5 =	vadd.s32 v19, v5;
	v21 =	vld [tilespmem:s17+$0xFFFFFFC0]  }
0x43: {  	v18 =	vand.u32 $0xFFF00000, v18;
	v15 =	vand.u32 $0xFFF00000, v15;
	v14 =	vand.u32 $0xFFF00000, v14;
	v19 =	vld [tilespmem:s29+$0xFFFFFFD0]  }
0x44: {  	v10 =	vand.u32 $0xFFF00000, v10;
	v8 =	vand.u32 $0xFFF00000, v8;
	v7 =	vand.u32 $0xFFF00000, v7;
	s19 =	sadd.s32 $0x80, s19;
	v20 =	vld [tilespmem:s17+$0xFFFFFFD0]  }
0x45: {  	v16 =	vadd.s32 v17, v16;
	v11 =	vadd.s32 v18, v11;
	v13 =	vadd.s32 v15, v13;
	v22 =	vld [tilespmem:s19+$0x30]  }
0x46: {  	v12 =	vadd.s32 v14, v12;
	v17 =	vtrunc.f32 v26;
	v15 =	vld [tilespmem:s29+$0xFFFFFFE0];
	v18 =	vtrunc.f32 v24;
	[tilespmem:s20+$0xFFFFFFC0] =	vst v16  }
0x47: {  	v9 =	vadd.s32 v10, v9;
	v16 =	vcvt.f32.s32 v17;
	v14 =	vld [tilespmem:s17+$0xFFFFFFE0];
	v17 =	vcvt.f32.s32 v18;
	[tilespmem:s20+$0xFFFFFFD0] =	vst v11  }
0x48: {  	v6 =	vadd.s32 v8, v6;
	v10 =	vtrunc.f32 v21;
	v11 =	vtrunc.f32 v19;
	v18 =	vld [tilespmem:s29+$0xFFFFFFF0];
	[tilespmem:s20+$0xFFFFFFE0] =	vst v13  }
0x49: {  	v19 =	vand.u32 $0x7F, v16;
	v8 =	vtrunc.f32 v20;
	v13 =	vld [tilespmem:s17+$0xFFFFFFF0];
	v17 =	vshll.u32 v17, $0x7;
	[tilespmem:s20+$0xFFFFFFF0] =	vst v12  }
0x4a: {  	v16 =	vshll.u32 v16, $0xD;
	v12 =	vld [tilespmem:s29+$0x0];
	v20 =	vshll.u32 v22, $0x10;
	v17 =	vor.u32 v19, v17;
	[tilespmem:s20+$0x0] =	vst v9  }
0x4b: {  	v16 =	vand.u32 $0xFFF00000, v16;
	v9 =	vtrunc.f32 v15;
	v15 =	vld [tilespmem:s17+$0x0];
	v17 =	vadd.s32 v20, v17;
	[tilespmem:s20+$0x10] =	vst v6  }
0x4c: {  	v6 =	vcvt.f32.s32 v10;
	s20 =	sadd.s32 $0x80, s20;
	v10 =	vtrunc.f32 v14;
	v14 =	vld [tilespmem:s29+$0x10];
	v16 =	vadd.s32 v16, v17  }
0x4d: {  	v5 =	vadd.s32 v7, v5;
	v20 =	vcvt.f32.s32 v11;
	v11 =	vtrunc.f32 v18;
	v17 =	vld [tilespmem:s17+$0x10];
	[tilespmem:s20+$0x30] =	vst v16  }
0x4e: {  	v7 =	vcvt.f32.s32 v8;
	v6 =	vshll.u32 v6, $0x7;
	v8 =	vtrunc.f32 v13;
	v13 =	vld [tilespmem:s29+$0x20];
	[tilespmem:s26+$0x20] =	vst v5;
	s26 =	smov.u32 s20  }
0x4f: {  	v21 =	vcvt.f32.s32 v9;
	v5 =	vand.u32 $0x7F, v20;
	v9 =	vtrunc.f32 v12;
	v12 =	vld [tilespmem:s17+$0x20]  }
0x50: {  	v7 =	vshll.u32 v7, $0x7;
	v10 =	vcvt.f32.s32 v10;
	v16 =	vld [tilespmem:s29+$0xFFFFFFC0];
	v15 =	vtrunc.f32 v15  }
0x51: {  	v18 =	vand.u32 $0x7F, v21;
	v23 =	vcvt.f32.s32 v11;
	v22 =	vld [tilespmem:s19+$0xFFFFFFC0];
	v11 =	vtrunc.f32 v14  }
0x52: {  	v10 =	vshll.u32 v10, $0x7;
	v8 =	vcvt.f32.s32 v8;
	v25 =	vld [tilespmem:s19+$0xFFFFFFD0];
	v14 =	vtrunc.f32 v17  }
0x53: {  	v24 =	vcvt.f32.s32 v9;
	v17 =	vand.u32 $0x7F, v23;
	v26 =	vld [tilespmem:s19+$0xFFFFFFE0];
	v9 =	vtrunc.f32 v13  }
0x54: {  	v8 =	vshll.u32 v8, $0x7;
	v13 =	vcvt.f32.s32 v15;
	v27 =	vld [tilespmem:s19+$0xFFFFFFF0];
	v12 =	vtrunc.f32 v12  }
0x55: {  	v29 =	vand.u32 $0x7F, v24;
	v30 =	vcvt.f32.s32 v11;
	v15 =	vtrunc.f32 v16;
	v28 =	vld [tilespmem:s19+$0x0]  }
0x56: {  	v31 =	vshll.u32 v13, $0x7;
	v13 =	vcvt.f32.s32 v14;
	v15 =	vcvt.f32.s32 v15;
	v32 =	vld [tilespmem:s19+$0x10]  }
0x57: {  	v33 =	vcvt.f32.s32 v9;
	v14 =	vand.u32 $0x7F, v30;
	v9 =	vcvt.f32.s32 v12;
	v19 =	vld [tilespmem:s19+$0x20]  }
0x58: {  	v11 =	vor.u32 v5, v7;
	v5 =	vshll.u32 v13, $0x7;
	v12 =	vand.u32 $0x7F, v15  }
0x59: {  	v34 =	vand.u32 $0x7F, v33;
	v7 =	vshll.u32 v9, $0x7;
	v16 =	vor.u32 v12, v6  }
0x5a: {  	v13 =	vor.u32 v18, v10;
	v9 =	vor.u32 v29, v31;
	v12 =	vor.u32 v17, v8  }
.Ltmp0:
0x5b: {  	v17 =	vshll.u32 v15, $0xD;
	v6 =	vor.u32 v14, v5;
	v5 =	vor.u32 v34, v7;
	(pc) =	sbr.rel @p0 .LBB2_2-.Ltmp0, $4  }
0x5c: {  	v18 =	vshll.u32 v20, $0xD;
	v15 =	vshll.u32 v21, $0xD;
	v14 =	vshll.u32 v23, $0xD  }
0x5d: {  	v10 =	vshll.u32 v24, $0xD;
	v8 =	vshll.u32 v30, $0xD;
	v7 =	vshll.u32 v33, $0xD  }
0x5e: {  	v24 =	vshll.u32 v22, $0x10;
	v25 =	vshll.u32 v25, $0x10;
	v22 =	vshll.u32 v26, $0x10  }
0x5f: {  	s29 =	sadd.s32 $0x80, s29;
	v23 =	vshll.u32 v27, $0x10;
	v21 =	vshll.u32 v28, $0x10;
	v20 =	vshll.u32 v32, $0x10  }
0x60: {  	v16 =	vadd.s32 v24, v16;
	v11 =	vadd.s32 v25, v11;
	v17 =	vand.u32 $0xFFF00000, v17  }
0x61: {  	v19 =	vshll.u32 v19, $0x10;
	v18 =	vand.u32 $0xFFF00000, v18;
	v16 =	vadd.s32 v17, v16  }
0x62: {  	v13 =	vadd.s32 v22, v13;
	v15 =	vand.u32 $0xFFF00000, v15;
	v11 =	vadd.s32 v18, v11;
	[tilespmem:s20+$0xFFFFFFC0] =	vst v16  }
0x63: {  	v12 =	vadd.s32 v23, v12;
	v14 =	vand.u32 $0xFFF00000, v14;
	v13 =	vadd.s32 v15, v13;
	[tilespmem:s20+$0xFFFFFFD0] =	vst v11  }
0x64: {  	v9 =	vadd.s32 v21, v9;
	v10 =	vand.u32 $0xFFF00000, v10;
	v63 =	vadd.s32 v14, v12;
	[tilespmem:s20+$0xFFFFFFE0] =	vst v13  }
0x65: {  	v6 =	vadd.s32 v20, v6;
	v8 =	vand.u32 $0xFFF00000, v8;
	v9 =	vadd.s32 v10, v9;
	[tilespmem:s20+$0xFFFFFFF0] =	vst v63  }
0x66: {  	v7 =	vand.u32 $0xFFF00000, v7;
	v5 =	vadd.s32 v19, v5;
	v6 =	vadd.s32 v8, v6;
	[tilespmem:s20+$0x0] =	vst v9  }
0x67: {  	[tilespmem:s20+$0x10] =	vst v6;
	v5 =	vadd.s32 v7, v5  }
0x68: {  	s17 =	simm.s32 $0x8040;
	[tilespmem:s26+$0x20] =	vst v5  }
0x69: {  	[hbm4b:s6+s2] =	stream.linear.scatter [tilespmem:s2], [sflag:$0x3], $0x1000, $0x38;
	[tilespmem:$0x1B080] =	vst v63  }
0x6a: {  	[tilespmem:s17+$0xFFFFFFC0] =	vst v2  }
0x6b: {  	[tilespmem:s17+$0x30] =	vst v2  }
0x6c: {  	[tilespmem:s17+$0x20] =	vst v2  }
0x6d: {  	[tilespmem:s17+$0x10] =	vst v2  }
0x6e: {  	[tilespmem:s17+$0x0] =	vst v2  }
0x6f: {  	[tilespmem:s17+$0xFFFFFFF0] =	vst v2  }
0x70: {  	s19 =	simm.s32 $0x0;
	[tilespmem:s17+$0xFFFFFFE0] =	vst v2  }
.LBB2_4:
0x71: {  	s19 =	sadd.s32 $0x8, s19;
	[tilespmem:s17+$0xFFFFFFD0] =	vst v2;
	s17 =	sadd.s32 $0x80, s17  }
0x72: {  	[tilespmem:s17+$0xFFFFFFC0] =	vst v2;
	p0 =	slt.u32 s19, $0xFF8  }
0x73: {  	[tilespmem:s17+$0x30] =	vst v2  }
.Ltmp1:
0x74: {  	[tilespmem:s17+$0x20] =	vst v2;
	(pc) =	sbr.rel @p0 .LBB2_4-.Ltmp1, $4  }
0x75: {  	[tilespmem:s17+$0x10] =	vst v2  }
0x76: {  	[tilespmem:s17+$0x0] =	vst v2  }
0x77: {  	[tilespmem:s17+$0xFFFFFFF0] =	vst v2  }
0x78: {  	[tilespmem:s17+$0xFFFFFFE0] =	vst v2  }
0x79: {  	[tilespmem:s17+$0xFFFFFFD0] =	vst v2  }
0x7a: {  	_ =	swait.ge [sflag:s21], $0x1000  }
0x7b: {  	[sflag:s21] =	ssyncset.done $0x0  }
0x7c: {  	[sflag:s21] =	ssyncadd.s32 $0xFFFFF000  }
0x7d: {  	[bflag:$0x0] =	sbarrier.arrive $0xFFFF  }
0x7e: {  	[tilespmem:s2], [sflag:$0x1] =	stream.linear.gather [hbm4b:s7+s2], $0x4000, $0x38;
	[tilespmem:$0x1B080] =	vst v63  }
0x7f: {  	_ = 	snop  }
0x80: {  	[tilespmem:s22], [sflag:$0x2] =	stream.linear.gather [hbm4b:s8+s2], $0x4000, $0x38;
	[tilespmem:$0x1B080] =	vst v63  }
0x81: {  	_ =	swait.ge [sflag:s23], $0x4000  }
0x82: {  	[sflag:s23] =	ssyncset.done $0x0  }
0x83: {  	s17 =	simm.s32 $0x80;
	[sflag:s23] =	ssyncadd.s32 $0xFFFFC000  }
0x84: {  	v5 =	vld [tilespmem:s17+$0xFFFFFFA0]  }
0x85: {  	v6 =	vld [tilespmem:s17+$0xFFFFFFB0]  }
0x86: {  	v7 =	vld [tilespmem:s17+$0xFFFFFFC0]  }
0x87: {  	v8 =	vld [tilespmem:s17+$0xFFFFFFD0]  }
0x88: {  	v9 =	vld [tilespmem:s17+$0xFFFFFF80]  }
0x89: {  	v10 =	vld [tilespmem:s17+$0x70]  }
0x8a: {  	v11 =	vld [tilespmem:s17+$0x60]  }
0x8b: {  	v12 =	vld [tilespmem:s17+$0x50]  }
0x8c: {  	v13 =	vld [tilespmem:s17+$0x40]  }
0x8d: {  	v14 =	vld [tilespmem:s17+$0x30]  }
0x8e: {  	v16 =	vld [tilespmem:s17+$0x10];
	v9 =	vsub.s32 v9, v0  }
0x8f: {  	v15 =	vld [tilespmem:s17+$0x20];
	v10 =	vsub.s32 v10, v0;
	v9 =	vmin.u32 v9, v3  }
0x90: {  	v19 =	vld [tilespmem:s17+$0xFFFFFFE0];
	v11 =	vsub.s32 v11, v0;
	v10 =	vmin.u32 v10, v3  }
0x91: {  	v17 =	vld [tilespmem:s17+$0x0];
	v12 =	vsub.s32 v12, v0;
	v11 =	vmin.u32 v11, v3  }
0x92: {  	v18 =	vld [tilespmem:s17+$0xFFFFFFF0];
	v14 =	vsub.s32 v14, v0;
	v12 =	vmin.u32 v12, v3  }
0x93: {  	v60 =	vld [tilespmem:s17+$0xFFFFFF90];
	v13 =	vsub.s32 v13, v0;
	v57 =	vsub.s32 v16, v0;
	v56 =	vmin.u32 v14, v3  }
0x94: {  	v59 =	vsub.s32 v15, v0;
	v13 =	vmin.u32 v13, v3;
	[tilespmem:v9+s24+$0x0] =	vst.idx.add.f32.msk $0xffff, v4  }
0x95: {  	v61 =	vsub.s32 v19, v0;
	v14 =	vmin.u32 v57, v3;
	[tilespmem:v10+s24+$0x0] =	vst.idx.add.f32.msk $0xffff, v4  }
0x96: {  	v8 =	vsub.s32 v8, v0;
	v15 =	vmin.u32 v61, v3;
	[tilespmem:v11+s24+$0x0] =	vst.idx.add.f32.msk $0xffff, v4  }
0x97: {  	v6 =	vsub.s32 v6, v0;
	v8 =	vmin.u32 v8, v3;
	[tilespmem:v12+s24+$0x0] =	vst.idx.add.f32.msk $0xffff, v4  }
0x98: {  	v5 =	vsub.s32 v5, v0;
	v6 =	vmin.u32 v6, v3;
	[tilespmem:v56+s24+$0x0] =	vst.idx.add.f32.msk $0xffff, v4  }
0x99: {  	v58 =	vsub.s32 v17, v0;
	v63 =	vmin.u32 v5, v3;
	[tilespmem:v13+s24+$0x0] =	vst.idx.add.f32.msk $0xffff, v4  }
0x9a: {  	v62 =	vsub.s32 v18, v0;
	v10 =	vmin.u32 v58, v3;
	[tilespmem:v14+s24+$0x0] =	vst.idx.add.f32.msk $0xffff, v4  }
0x9b: {  	v5 =	vsub.s32 v7, v0;
	v11 =	vmin.u32 v59, v3;
	[tilespmem:v15+s24+$0x0] =	vst.idx.add.f32.msk $0xffff, v4  }
0x9c: {  	v7 =	vsub.s32 v60, v0;
	v9 =	vmin.u32 v62, v3;
	[tilespmem:v8+s24+$0x0] =	vst.idx.add.f32.msk $0xffff, v4  }
0x9d: {  	[tilespmem:v6+s24+$0x0] =	vst.idx.add.f32.msk $0xffff, v4;
	v6 =	vmin.u32 v7, v3  }
0x9e: {  	v5 =	vmin.u32 v5, v3;
	[tilespmem:v63+s24+$0x0] =	vst.idx.add.f32.msk $0xffff, v4  }
0x9f: {  	[tilespmem:v10+s24+$0x0] =	vst.idx.add.f32.msk $0xffff, v4  }
0xa0: {  	[tilespmem:v11+s24+$0x0] =	vst.idx.add.f32.msk $0xffff, v4  }
0xa1: {  	s19 =	simm.s32 $0x0;
	[tilespmem:v9+s24+$0x0] =	vst.idx.add.f32.msk $0xffff, v4  }
.LBB2_6:
0xa2: {  	s19 =	sadd.s32 $0x10, s19;
	[tilespmem:v6+s24+$0x0] =	vst.idx.add.f32.msk $0xffff, v4;
	s17 =	sadd.s32 $0x100, s17  }
0xa3: {  	p0 =	slt.u32 s19, $0x3F0;
	[tilespmem:v5+s24+$0x0] =	vst.idx.add.f32.msk $0xffff, v4  }
0xa4: {  	v6 =	vld [tilespmem:s17+$0xFFFFFFA0]  }
0xa5: {  	v5 =	vld [tilespmem:s17+$0xFFFFFFB0]  }
0xa6: {  	v7 =	vld [tilespmem:s17+$0xFFFFFFC0]  }
0xa7: {  	v8 =	vld [tilespmem:s17+$0xFFFFFFD0]  }
0xa8: {  	v9 =	vld [tilespmem:s17+$0xFFFFFF80]  }
0xa9: {  	v10 =	vld [tilespmem:s17+$0x70]  }
0xaa: {  	v11 =	vld [tilespmem:s17+$0x60]  }
0xab: {  	v12 =	vld [tilespmem:s17+$0x50]  }
0xac: {  	v13 =	vld [tilespmem:s17+$0x40]  }
0xad: {  	v9 =	vsub.s32 v9, v0;
	v14 =	vld [tilespmem:s17+$0x30]  }
0xae: {  	v9 =	vmin.u32 v9, v3;
	v15 =	vld [tilespmem:s17+$0x20];
	v10 =	vsub.s32 v10, v0  }
0xaf: {  	v16 =	vld [tilespmem:s17+$0x10];
	v11 =	vsub.s32 v11, v0;
	v10 =	vmin.u32 v10, v3  }
0xb0: {  	v17 =	vld [tilespmem:s17+$0x0];
	v12 =	vsub.s32 v12, v0;
	v11 =	vmin.u32 v11, v3  }
0xb1: {  	v18 =	vld [tilespmem:s17+$0xFFFFFFF0];
	v13 =	vsub.s32 v13, v0;
	v12 =	vmin.u32 v12, v3  }
0xb2: {  	v19 =	vld [tilespmem:s17+$0xFFFFFFE0];
	v14 =	vsub.s32 v14, v0;
	v13 =	vmin.u32 v13, v3  }
0xb3: {  	[tilespmem:v9+s24+$0x0] =	vst.idx.add.f32.msk $0xffff, v4;
	v9 =	vsub.s32 v15, v0;
	v14 =	vmin.u32 v14, v3  }
0xb4: {  	v15 =	vsub.s32 v16, v0;
	v9 =	vmin.u32 v9, v3;
	[tilespmem:v10+s24+$0x0] =	vst.idx.add.f32.msk $0xffff, v4  }
0xb5: {  	v10 =	vsub.s32 v17, v0;
	v15 =	vmin.u32 v15, v3;
	[tilespmem:v11+s24+$0x0] =	vst.idx.add.f32.msk $0xffff, v4  }
0xb6: {  	v11 =	vsub.s32 v18, v0;
	v10 =	vmin.u32 v10, v3;
	[tilespmem:v12+s24+$0x0] =	vst.idx.add.f32.msk $0xffff, v4  }
0xb7: {  	v12 =	vld [tilespmem:s17+$0xFFFFFF90];
	v16 =	vsub.s32 v19, v0;
	v11 =	vmin.u32 v11, v3  }
0xb8: {  	v8 =	vsub.s32 v8, v0;
	v16 =	vmin.u32 v16, v3;
	[tilespmem:v14+s24+$0x0] =	vst.idx.add.f32.msk $0xffff, v4  }
0xb9: {  	v7 =	vsub.s32 v7, v0;
	v8 =	vmin.u32 v8, v3;
	[tilespmem:v13+s24+$0x0] =	vst.idx.add.f32.msk $0xffff, v4  }
0xba: {  	v13 =	vsub.s32 v5, v0;
	v5 =	vmin.u32 v7, v3;
	[tilespmem:v15+s24+$0x0] =	vst.idx.add.f32.msk $0xffff, v4  }
0xbb: {  	v6 =	vsub.s32 v6, v0;
	v7 =	vmin.u32 v13, v3;
	[tilespmem:v10+s24+$0x0] =	vst.idx.add.f32.msk $0xffff, v4  }
0xbc: {  	v10 =	vsub.s32 v12, v0;
	v12 =	vmin.u32 v6, v3;
	[tilespmem:v9+s24+$0x0] =	vst.idx.add.f32.msk $0xffff, v4  }
.Ltmp2:
0xbd: {  	v6 =	vmin.u32 v10, v3;
	[tilespmem:v16+s24+$0x0] =	vst.idx.add.f32.msk $0xffff, v4;
	(pc) =	sbr.rel @p0 .LBB2_6-.Ltmp2, $4  }
0xbe: {  	[tilespmem:v8+s24+$0x0] =	vst.idx.add.f32.msk $0xffff, v4  }
0xbf: {  	[tilespmem:v11+s24+$0x0] =	vst.idx.add.f32.msk $0xffff, v4  }
0xc0: {  	[tilespmem:v7+s24+$0x0] =	vst.idx.add.f32.msk $0xffff, v4  }
0xc1: {  	[tilespmem:v12+s24+$0x0] =	vst.idx.add.f32.msk $0xffff, v4  }
0xc2: {  	_ =	sdelay $0x3  }
0xc3: {  	[tilespmem:v6+s24+$0x0] =	vst.idx.add.f32.msk $0xffff, v4  }
0xc4: {  	[tilespmem:v5+s24+$0x0] =	vst.idx.add.f32.msk $0xffff, v4  }
0xc5: {  	[tilespmem:s2], [sflag:$0x1] =	stream.linear.gather [hbm4b:s9+s2], $0x4000, $0x38;
	[tilespmem:$0x1B080] =	vst v63  }
0xc6: {  	_ =	swait.ge [sflag:s25], $0x4000  }
0xc7: {  	[sflag:s25] =	ssyncset.done $0x0  }
0xc8: {  	s17 =	simm.s32 $0x40F0;
	[sflag:s25] =	ssyncadd.s32 $0xFFFFC000  }
0xc9: {  	v5 =	vld [tilespmem:s17+$0xFFFFFF30]  }
0xca: {  	v6 =	vld [tilespmem:s17+$0xFFFFFF40]  }
0xcb: {  	v7 =	vld [tilespmem:s17+$0xFFFFFF50]  }
0xcc: {  	v8 =	vld [tilespmem:s17+$0xFFFFFF60]  }
0xcd: {  	v9 =	vld [tilespmem:s17+$0xFFFFFF10]  }
0xce: {  	v10 =	vld [tilespmem:s17+$0x0]  }
0xcf: {  	v11 =	vld [tilespmem:s17+$0xFFFFFFF0]  }
0xd0: {  	v12 =	vld [tilespmem:s17+$0xFFFFFFE0]  }
0xd1: {  	v13 =	vld [tilespmem:s17+$0xFFFFFFD0]  }
0xd2: {  	v14 =	vld [tilespmem:s17+$0xFFFFFFC0]  }
0xd3: {  	v16 =	vld [tilespmem:s17+$0xFFFFFFA0];
	v9 =	vsub.s32 v9, v0  }
0xd4: {  	v15 =	vld [tilespmem:s17+$0xFFFFFFB0];
	v10 =	vsub.s32 v10, v0;
	v9 =	vmin.u32 v9, v3  }
0xd5: {  	v19 =	vld [tilespmem:s17+$0xFFFFFF70];
	v11 =	vsub.s32 v11, v0;
	v10 =	vmin.u32 v10, v3  }
0xd6: {  	v17 =	vld [tilespmem:s17+$0xFFFFFF90];
	v12 =	vsub.s32 v12, v0;
	v11 =	vmin.u32 v11, v3  }
0xd7: {  	v18 =	vld [tilespmem:s17+$0xFFFFFF80];
	v14 =	vsub.s32 v14, v0;
	v12 =	vmin.u32 v12, v3  }
0xd8: {  	v60 =	vld [tilespmem:s17+$0xFFFFFF20];
	v13 =	vsub.s32 v13, v0;
	v57 =	vsub.s32 v16, v0;
	v56 =	vmin.u32 v14, v3  }
0xd9: {  	v59 =	vsub.s32 v15, v0;
	v13 =	vmin.u32 v13, v3;
	[tilespmem:v9+s24+$0x0] =	vst.idx.add.f32.msk $0xffff, v4  }
0xda: {  	v61 =	vsub.s32 v19, v0;
	v14 =	vmin.u32 v57, v3;
	[tilespmem:v10+s24+$0x0] =	vst.idx.add.f32.msk $0xffff, v4  }
0xdb: {  	v8 =	vsub.s32 v8, v0;
	v15 =	vmin.u32 v61, v3;
	[tilespmem:v11+s24+$0x0] =	vst.idx.add.f32.msk $0xffff, v4  }
0xdc: {  	v6 =	vsub.s32 v6, v0;
	v8 =	vmin.u32 v8, v3;
	[tilespmem:v12+s24+$0x0] =	vst.idx.add.f32.msk $0xffff, v4  }
0xdd: {  	v5 =	vsub.s32 v5, v0;
	v6 =	vmin.u32 v6, v3;
	[tilespmem:v56+s24+$0x0] =	vst.idx.add.f32.msk $0xffff, v4  }
0xde: {  	v58 =	vsub.s32 v17, v0;
	v63 =	vmin.u32 v5, v3;
	[tilespmem:v13+s24+$0x0] =	vst.idx.add.f32.msk $0xffff, v4  }
0xdf: {  	v62 =	vsub.s32 v18, v0;
	v10 =	vmin.u32 v58, v3;
	[tilespmem:v14+s24+$0x0] =	vst.idx.add.f32.msk $0xffff, v4  }
0xe0: {  	v5 =	vsub.s32 v7, v0;
	v11 =	vmin.u32 v59, v3;
	[tilespmem:v15+s24+$0x0] =	vst.idx.add.f32.msk $0xffff, v4  }
0xe1: {  	v7 =	vsub.s32 v60, v0;
	v9 =	vmin.u32 v62, v3;
	[tilespmem:v8+s24+$0x0] =	vst.idx.add.f32.msk $0xffff, v4  }
0xe2: {  	[tilespmem:v6+s24+$0x0] =	vst.idx.add.f32.msk $0xffff, v4;
	v6 =	vmin.u32 v7, v3  }
0xe3: {  	v5 =	vmin.u32 v5, v3;
	[tilespmem:v63+s24+$0x0] =	vst.idx.add.f32.msk $0xffff, v4  }
0xe4: {  	[tilespmem:v10+s24+$0x0] =	vst.idx.add.f32.msk $0xffff, v4  }
0xe5: {  	[tilespmem:v11+s24+$0x0] =	vst.idx.add.f32.msk $0xffff, v4  }
0xe6: {  	s19 =	simm.s32 $0x0;
	[tilespmem:v9+s24+$0x0] =	vst.idx.add.f32.msk $0xffff, v4  }
.LBB2_8:
0xe7: {  	s19 =	sadd.s32 $0x10, s19;
	[tilespmem:v6+s24+$0x0] =	vst.idx.add.f32.msk $0xffff, v4;
	s17 =	sadd.s32 $0x100, s17  }
0xe8: {  	p0 =	slt.u32 s19, $0x3F0;
	[tilespmem:v5+s24+$0x0] =	vst.idx.add.f32.msk $0xffff, v4  }
0xe9: {  	v6 =	vld [tilespmem:s17+$0xFFFFFF30]  }
0xea: {  	v5 =	vld [tilespmem:s17+$0xFFFFFF40]  }
0xeb: {  	v7 =	vld [tilespmem:s17+$0xFFFFFF50]  }
0xec: {  	v8 =	vld [tilespmem:s17+$0xFFFFFF60]  }
0xed: {  	v9 =	vld [tilespmem:s17+$0xFFFFFF10]  }
0xee: {  	v10 =	vld [tilespmem:s17+$0x0]  }
0xef: {  	v11 =	vld [tilespmem:s17+$0xFFFFFFF0]  }
0xf0: {  	v12 =	vld [tilespmem:s17+$0xFFFFFFE0]  }
0xf1: {  	v13 =	vld [tilespmem:s17+$0xFFFFFFD0]  }
0xf2: {  	v9 =	vsub.s32 v9, v0;
	v14 =	vld [tilespmem:s17+$0xFFFFFFC0]  }
0xf3: {  	v9 =	vmin.u32 v9, v3;
	v15 =	vld [tilespmem:s17+$0xFFFFFFB0];
	v10 =	vsub.s32 v10, v0  }
0xf4: {  	v16 =	vld [tilespmem:s17+$0xFFFFFFA0];
	v11 =	vsub.s32 v11, v0;
	v10 =	vmin.u32 v10, v3  }
0xf5: {  	v17 =	vld [tilespmem:s17+$0xFFFFFF90];
	v12 =	vsub.s32 v12, v0;
	v11 =	vmin.u32 v11, v3  }
0xf6: {  	v18 =	vld [tilespmem:s17+$0xFFFFFF80];
	v13 =	vsub.s32 v13, v0;
	v12 =	vmin.u32 v12, v3  }
0xf7: {  	v19 =	vld [tilespmem:s17+$0xFFFFFF70];
	v14 =	vsub.s32 v14, v0;
	v13 =	vmin.u32 v13, v3  }
0xf8: {  	[tilespmem:v9+s24+$0x0] =	vst.idx.add.f32.msk $0xffff, v4;
	v9 =	vsub.s32 v15, v0;
	v14 =	vmin.u32 v14, v3  }
0xf9: {  	v15 =	vsub.s32 v16, v0;
	v9 =	vmin.u32 v9, v3;
	[tilespmem:v10+s24+$0x0] =	vst.idx.add.f32.msk $0xffff, v4  }
0xfa: {  	v10 =	vsub.s32 v17, v0;
	v15 =	vmin.u32 v15, v3;
	[tilespmem:v11+s24+$0x0] =	vst.idx.add.f32.msk $0xffff, v4  }
0xfb: {  	v11 =	vsub.s32 v18, v0;
	v10 =	vmin.u32 v10, v3;
	[tilespmem:v12+s24+$0x0] =	vst.idx.add.f32.msk $0xffff, v4  }
0xfc: {  	v12 =	vld [tilespmem:s17+$0xFFFFFF20];
	v16 =	vsub.s32 v19, v0;
	v11 =	vmin.u32 v11, v3  }
0xfd: {  	v8 =	vsub.s32 v8, v0;
	v16 =	vmin.u32 v16, v3;
	[tilespmem:v14+s24+$0x0] =	vst.idx.add.f32.msk $0xffff, v4  }
0xfe: {  	v7 =	vsub.s32 v7, v0;
	v8 =	vmin.u32 v8, v3;
	[tilespmem:v13+s24+$0x0] =	vst.idx.add.f32.msk $0xffff, v4  }
0xff: {  	v13 =	vsub.s32 v5, v0;
	v5 =	vmin.u32 v7, v3;
	[tilespmem:v15+s24+$0x0] =	vst.idx.add.f32.msk $0xffff, v4  }
0x100: {  	v6 =	vsub.s32 v6, v0;
	v7 =	vmin.u32 v13, v3;
	[tilespmem:v10+s24+$0x0] =	vst.idx.add.f32.msk $0xffff, v4  }
0x101: {  	v10 =	vsub.s32 v12, v0;
	v12 =	vmin.u32 v6, v3;
	[tilespmem:v9+s24+$0x0] =	vst.idx.add.f32.msk $0xffff, v4  }
.Ltmp3:
0x102: {  	v6 =	vmin.u32 v10, v3;
	[tilespmem:v16+s24+$0x0] =	vst.idx.add.f32.msk $0xffff, v4;
	(pc) =	sbr.rel @p0 .LBB2_8-.Ltmp3, $4  }
0x103: {  	[tilespmem:v8+s24+$0x0] =	vst.idx.add.f32.msk $0xffff, v4  }
0x104: {  	[tilespmem:v11+s24+$0x0] =	vst.idx.add.f32.msk $0xffff, v4  }
0x105: {  	[tilespmem:v7+s24+$0x0] =	vst.idx.add.f32.msk $0xffff, v4  }
0x106: {  	[tilespmem:v12+s24+$0x0] =	vst.idx.add.f32.msk $0xffff, v4  }
0x107: {  	_ =	sdelay $0x3  }
0x108: {  	[tilespmem:v6+s24+$0x0] =	vst.idx.add.f32.msk $0xffff, v4  }
0x109: {  	[tilespmem:v5+s24+$0x0] =	vst.idx.add.f32.msk $0xffff, v4  }
0x10a: {  	[tilespmem:s22], [sflag:$0x2] =	stream.linear.gather [hbm4b:s11+s2], $0x4000, $0x38;
	[tilespmem:$0x1B080] =	vst v63  }
0x10b: {  	_ =	swait.ge [sflag:s23], $0x4000  }
0x10c: {  	[sflag:s23] =	ssyncset.done $0x0  }
0x10d: {  	s17 =	simm.s32 $0x80;
	[sflag:s23] =	ssyncadd.s32 $0xFFFFC000  }
0x10e: {  	v5 =	vld [tilespmem:s17+$0xFFFFFFA0]  }
0x10f: {  	v6 =	vld [tilespmem:s17+$0xFFFFFFB0]  }
0x110: {  	v7 =	vld [tilespmem:s17+$0xFFFFFFC0]  }
0x111: {  	v8 =	vld [tilespmem:s17+$0xFFFFFFD0]  }
0x112: {  	v9 =	vld [tilespmem:s17+$0xFFFFFF80]  }
0x113: {  	v10 =	vld [tilespmem:s17+$0x70]  }
0x114: {  	v11 =	vld [tilespmem:s17+$0x60]  }
0x115: {  	v12 =	vld [tilespmem:s17+$0x50]  }
0x116: {  	v13 =	vld [tilespmem:s17+$0x40]  }
0x117: {  	v14 =	vld [tilespmem:s17+$0x30]  }
0x118: {  	v16 =	vld [tilespmem:s17+$0x10];
	v9 =	vsub.s32 v9, v0  }
0x119: {  	v15 =	vld [tilespmem:s17+$0x20];
	v10 =	vsub.s32 v10, v0;
	v9 =	vmin.u32 v9, v3  }
0x11a: {  	v19 =	vld [tilespmem:s17+$0xFFFFFFE0];
	v11 =	vsub.s32 v11, v0;
	v10 =	vmin.u32 v10, v3  }
0x11b: {  	v17 =	vld [tilespmem:s17+$0x0];
	v12 =	vsub.s32 v12, v0;
	v11 =	vmin.u32 v11, v3  }
0x11c: {  	v18 =	vld [tilespmem:s17+$0xFFFFFFF0];
	v14 =	vsub.s32 v14, v0;
	v12 =	vmin.u32 v12, v3  }
0x11d: {  	v60 =	vld [tilespmem:s17+$0xFFFFFF90];
	v13 =	vsub.s32 v13, v0;
	v57 =	vsub.s32 v16, v0;
	v56 =	vmin.u32 v14, v3  }
0x11e: {  	v59 =	vsub.s32 v15, v0;
	v13 =	vmin.u32 v13, v3;
	[tilespmem:v9+s24+$0x0] =	vst.idx.add.f32.msk $0xffff, v4  }
0x11f: {  	v61 =	vsub.s32 v19, v0;
	v14 =	vmin.u32 v57, v3;
	[tilespmem:v10+s24+$0x0] =	vst.idx.add.f32.msk $0xffff, v4  }
0x120: {  	v8 =	vsub.s32 v8, v0;
	v15 =	vmin.u32 v61, v3;
	[tilespmem:v11+s24+$0x0] =	vst.idx.add.f32.msk $0xffff, v4  }
0x121: {  	v6 =	vsub.s32 v6, v0;
	v8 =	vmin.u32 v8, v3;
	[tilespmem:v12+s24+$0x0] =	vst.idx.add.f32.msk $0xffff, v4  }
0x122: {  	v5 =	vsub.s32 v5, v0;
	v6 =	vmin.u32 v6, v3;
	[tilespmem:v56+s24+$0x0] =	vst.idx.add.f32.msk $0xffff, v4  }
0x123: {  	v58 =	vsub.s32 v17, v0;
	v63 =	vmin.u32 v5, v3;
	[tilespmem:v13+s24+$0x0] =	vst.idx.add.f32.msk $0xffff, v4  }
0x124: {  	v62 =	vsub.s32 v18, v0;
	v10 =	vmin.u32 v58, v3;
	[tilespmem:v14+s24+$0x0] =	vst.idx.add.f32.msk $0xffff, v4  }
0x125: {  	v5 =	vsub.s32 v7, v0;
	v11 =	vmin.u32 v59, v3;
	[tilespmem:v15+s24+$0x0] =	vst.idx.add.f32.msk $0xffff, v4  }
0x126: {  	v7 =	vsub.s32 v60, v0;
	v9 =	vmin.u32 v62, v3;
	[tilespmem:v8+s24+$0x0] =	vst.idx.add.f32.msk $0xffff, v4  }
0x127: {  	[tilespmem:v6+s24+$0x0] =	vst.idx.add.f32.msk $0xffff, v4;
	v6 =	vmin.u32 v7, v3  }
0x128: {  	v5 =	vmin.u32 v5, v3;
	[tilespmem:v63+s24+$0x0] =	vst.idx.add.f32.msk $0xffff, v4  }
0x129: {  	[tilespmem:v10+s24+$0x0] =	vst.idx.add.f32.msk $0xffff, v4  }
0x12a: {  	[tilespmem:v11+s24+$0x0] =	vst.idx.add.f32.msk $0xffff, v4  }
0x12b: {  	s19 =	simm.s32 $0x0;
	[tilespmem:v9+s24+$0x0] =	vst.idx.add.f32.msk $0xffff, v4  }
.LBB2_10:
0x12c: {  	s19 =	sadd.s32 $0x10, s19;
	[tilespmem:v6+s24+$0x0] =	vst.idx.add.f32.msk $0xffff, v4;
	s17 =	sadd.s32 $0x100, s17  }
0x12d: {  	p0 =	slt.u32 s19, $0x3F0;
	[tilespmem:v5+s24+$0x0] =	vst.idx.add.f32.msk $0xffff, v4  }
0x12e: {  	v6 =	vld [tilespmem:s17+$0xFFFFFFA0]  }
0x12f: {  	v5 =	vld [tilespmem:s17+$0xFFFFFFB0]  }
0x130: {  	v7 =	vld [tilespmem:s17+$0xFFFFFFC0]  }
0x131: {  	v8 =	vld [tilespmem:s17+$0xFFFFFFD0]  }
0x132: {  	v9 =	vld [tilespmem:s17+$0xFFFFFF80]  }
0x133: {  	v10 =	vld [tilespmem:s17+$0x70]  }
0x134: {  	v11 =	vld [tilespmem:s17+$0x60]  }
0x135: {  	v12 =	vld [tilespmem:s17+$0x50]  }
0x136: {  	v13 =	vld [tilespmem:s17+$0x40]  }
0x137: {  	v9 =	vsub.s32 v9, v0;
	v14 =	vld [tilespmem:s17+$0x30]  }
0x138: {  	v9 =	vmin.u32 v9, v3;
	v15 =	vld [tilespmem:s17+$0x20];
	v10 =	vsub.s32 v10, v0  }
0x139: {  	v16 =	vld [tilespmem:s17+$0x10];
	v11 =	vsub.s32 v11, v0;
	v10 =	vmin.u32 v10, v3  }
0x13a: {  	v17 =	vld [tilespmem:s17+$0x0];
	v12 =	vsub.s32 v12, v0;
	v11 =	vmin.u32 v11, v3  }
0x13b: {  	v18 =	vld [tilespmem:s17+$0xFFFFFFF0];
	v13 =	vsub.s32 v13, v0;
	v12 =	vmin.u32 v12, v3  }
0x13c: {  	v19 =	vld [tilespmem:s17+$0xFFFFFFE0];
	v14 =	vsub.s32 v14, v0;
	v13 =	vmin.u32 v13, v3  }
0x13d: {  	[tilespmem:v9+s24+$0x0] =	vst.idx.add.f32.msk $0xffff, v4;
	v9 =	vsub.s32 v15, v0;
	v14 =	vmin.u32 v14, v3  }
0x13e: {  	v15 =	vsub.s32 v16, v0;
	v9 =	vmin.u32 v9, v3;
	[tilespmem:v10+s24+$0x0] =	vst.idx.add.f32.msk $0xffff, v4  }
0x13f: {  	v10 =	vsub.s32 v17, v0;
	v15 =	vmin.u32 v15, v3;
	[tilespmem:v11+s24+$0x0] =	vst.idx.add.f32.msk $0xffff, v4  }
0x140: {  	v11 =	vsub.s32 v18, v0;
	v10 =	vmin.u32 v10, v3;
	[tilespmem:v12+s24+$0x0] =	vst.idx.add.f32.msk $0xffff, v4  }
0x141: {  	v12 =	vld [tilespmem:s17+$0xFFFFFF90];
	v16 =	vsub.s32 v19, v0;
	v11 =	vmin.u32 v11, v3  }
0x142: {  	v8 =	vsub.s32 v8, v0;
	v16 =	vmin.u32 v16, v3;
	[tilespmem:v14+s24+$0x0] =	vst.idx.add.f32.msk $0xffff, v4  }
0x143: {  	v7 =	vsub.s32 v7, v0;
	v8 =	vmin.u32 v8, v3;
	[tilespmem:v13+s24+$0x0] =	vst.idx.add.f32.msk $0xffff, v4  }
0x144: {  	v13 =	vsub.s32 v5, v0;
	v5 =	vmin.u32 v7, v3;
	[tilespmem:v15+s24+$0x0] =	vst.idx.add.f32.msk $0xffff, v4  }
0x145: {  	v6 =	vsub.s32 v6, v0;
	v7 =	vmin.u32 v13, v3;
	[tilespmem:v10+s24+$0x0] =	vst.idx.add.f32.msk $0xffff, v4  }
0x146: {  	v10 =	vsub.s32 v12, v0;
	v12 =	vmin.u32 v6, v3;
	[tilespmem:v9+s24+$0x0] =	vst.idx.add.f32.msk $0xffff, v4  }
.Ltmp4:
0x147: {  	v6 =	vmin.u32 v10, v3;
	[tilespmem:v16+s24+$0x0] =	vst.idx.add.f32.msk $0xffff, v4;
	(pc) =	sbr.rel @p0 .LBB2_10-.Ltmp4, $4  }
0x148: {  	[tilespmem:v8+s24+$0x0] =	vst.idx.add.f32.msk $0xffff, v4  }
0x149: {  	[tilespmem:v11+s24+$0x0] =	vst.idx.add.f32.msk $0xffff, v4  }
0x14a: {  	[tilespmem:v7+s24+$0x0] =	vst.idx.add.f32.msk $0xffff, v4  }
0x14b: {  	[tilespmem:v12+s24+$0x0] =	vst.idx.add.f32.msk $0xffff, v4  }
0x14c: {  	_ =	sdelay $0x3  }
0x14d: {  	[tilespmem:v6+s24+$0x0] =	vst.idx.add.f32.msk $0xffff, v4  }
0x14e: {  	[tilespmem:v5+s24+$0x0] =	vst.idx.add.f32.msk $0xffff, v4  }
0x14f: {  	_ =	swait.ge [sflag:s25], $0x4000  }
0x150: {  	[sflag:s25] =	ssyncset.done $0x0  }
0x151: {  	s17 =	simm.s32 $0x40F0;
	[sflag:s25] =	ssyncadd.s32 $0xFFFFC000  }
0x152: {  	v5 =	vld [tilespmem:s17+$0xFFFFFF30]  }
0x153: {  	v6 =	vld [tilespmem:s17+$0xFFFFFF40]  }
0x154: {  	v7 =	vld [tilespmem:s17+$0xFFFFFF50]  }
0x155: {  	v8 =	vld [tilespmem:s17+$0xFFFFFF60]  }
0x156: {  	v9 =	vld [tilespmem:s17+$0xFFFFFF10]  }
0x157: {  	v10 =	vld [tilespmem:s17+$0x0]  }
0x158: {  	v11 =	vld [tilespmem:s17+$0xFFFFFFF0]  }
0x159: {  	v12 =	vld [tilespmem:s17+$0xFFFFFFE0]  }
0x15a: {  	v13 =	vld [tilespmem:s17+$0xFFFFFFD0]  }
0x15b: {  	v14 =	vld [tilespmem:s17+$0xFFFFFFC0]  }
0x15c: {  	v16 =	vld [tilespmem:s17+$0xFFFFFFA0];
	v9 =	vsub.s32 v9, v0  }
0x15d: {  	v15 =	vld [tilespmem:s17+$0xFFFFFFB0];
	v10 =	vsub.s32 v10, v0;
	v9 =	vmin.u32 v9, v3  }
0x15e: {  	v19 =	vld [tilespmem:s17+$0xFFFFFF70];
	v11 =	vsub.s32 v11, v0;
	v10 =	vmin.u32 v10, v3  }
0x15f: {  	v17 =	vld [tilespmem:s17+$0xFFFFFF90];
	v12 =	vsub.s32 v12, v0;
	v11 =	vmin.u32 v11, v3  }
0x160: {  	v18 =	vld [tilespmem:s17+$0xFFFFFF80];
	v14 =	vsub.s32 v14, v0;
	v12 =	vmin.u32 v12, v3  }
0x161: {  	v60 =	vld [tilespmem:s17+$0xFFFFFF20];
	v13 =	vsub.s32 v13, v0;
	v57 =	vsub.s32 v16, v0;
	v56 =	vmin.u32 v14, v3  }
0x162: {  	v59 =	vsub.s32 v15, v0;
	v13 =	vmin.u32 v13, v3;
	[tilespmem:v9+s24+$0x0] =	vst.idx.add.f32.msk $0xffff, v4  }
0x163: {  	v61 =	vsub.s32 v19, v0;
	v14 =	vmin.u32 v57, v3;
	[tilespmem:v10+s24+$0x0] =	vst.idx.add.f32.msk $0xffff, v4  }
0x164: {  	v8 =	vsub.s32 v8, v0;
	v15 =	vmin.u32 v61, v3;
	[tilespmem:v11+s24+$0x0] =	vst.idx.add.f32.msk $0xffff, v4  }
0x165: {  	v6 =	vsub.s32 v6, v0;
	v8 =	vmin.u32 v8, v3;
	[tilespmem:v12+s24+$0x0] =	vst.idx.add.f32.msk $0xffff, v4  }
0x166: {  	v5 =	vsub.s32 v5, v0;
	v6 =	vmin.u32 v6, v3;
	[tilespmem:v56+s24+$0x0] =	vst.idx.add.f32.msk $0xffff, v4  }
0x167: {  	v58 =	vsub.s32 v17, v0;
	v63 =	vmin.u32 v5, v3;
	[tilespmem:v13+s24+$0x0] =	vst.idx.add.f32.msk $0xffff, v4  }
0x168: {  	v62 =	vsub.s32 v18, v0;
	v10 =	vmin.u32 v58, v3;
	[tilespmem:v14+s24+$0x0] =	vst.idx.add.f32.msk $0xffff, v4  }
0x169: {  	v5 =	vsub.s32 v7, v0;
	v11 =	vmin.u32 v59, v3;
	[tilespmem:v15+s24+$0x0] =	vst.idx.add.f32.msk $0xffff, v4  }
0x16a: {  	v7 =	vsub.s32 v60, v0;
	v9 =	vmin.u32 v62, v3;
	[tilespmem:v8+s24+$0x0] =	vst.idx.add.f32.msk $0xffff, v4  }
0x16b: {  	[tilespmem:v6+s24+$0x0] =	vst.idx.add.f32.msk $0xffff, v4;
	v6 =	vmin.u32 v7, v3  }
0x16c: {  	v5 =	vmin.u32 v5, v3;
	[tilespmem:v63+s24+$0x0] =	vst.idx.add.f32.msk $0xffff, v4  }
0x16d: {  	[tilespmem:v10+s24+$0x0] =	vst.idx.add.f32.msk $0xffff, v4  }
0x16e: {  	[tilespmem:v11+s24+$0x0] =	vst.idx.add.f32.msk $0xffff, v4  }
0x16f: {  	s19 =	simm.s32 $0x0;
	[tilespmem:v9+s24+$0x0] =	vst.idx.add.f32.msk $0xffff, v4  }
.LBB2_12:
0x170: {  	s19 =	sadd.s32 $0x10, s19;
	[tilespmem:v6+s24+$0x0] =	vst.idx.add.f32.msk $0xffff, v4;
	s17 =	sadd.s32 $0x100, s17  }
0x171: {  	p0 =	slt.u32 s19, $0x3F0;
	[tilespmem:v5+s24+$0x0] =	vst.idx.add.f32.msk $0xffff, v4  }
0x172: {  	v6 =	vld [tilespmem:s17+$0xFFFFFF30]  }
0x173: {  	v5 =	vld [tilespmem:s17+$0xFFFFFF40]  }
0x174: {  	v7 =	vld [tilespmem:s17+$0xFFFFFF50]  }
0x175: {  	v8 =	vld [tilespmem:s17+$0xFFFFFF60]  }
0x176: {  	v9 =	vld [tilespmem:s17+$0xFFFFFF10]  }
0x177: {  	v10 =	vld [tilespmem:s17+$0x0]  }
0x178: {  	v11 =	vld [tilespmem:s17+$0xFFFFFFF0]  }
0x179: {  	v12 =	vld [tilespmem:s17+$0xFFFFFFE0]  }
0x17a: {  	v13 =	vld [tilespmem:s17+$0xFFFFFFD0]  }
0x17b: {  	v9 =	vsub.s32 v9, v0;
	v14 =	vld [tilespmem:s17+$0xFFFFFFC0]  }
0x17c: {  	v9 =	vmin.u32 v9, v3;
	v15 =	vld [tilespmem:s17+$0xFFFFFFB0];
	v10 =	vsub.s32 v10, v0  }
0x17d: {  	v16 =	vld [tilespmem:s17+$0xFFFFFFA0];
	v11 =	vsub.s32 v11, v0;
	v10 =	vmin.u32 v10, v3  }
0x17e: {  	v17 =	vld [tilespmem:s17+$0xFFFFFF90];
	v12 =	vsub.s32 v12, v0;
	v11 =	vmin.u32 v11, v3  }
0x17f: {  	v18 =	vld [tilespmem:s17+$0xFFFFFF80];
	v13 =	vsub.s32 v13, v0;
	v12 =	vmin.u32 v12, v3  }
0x180: {  	v19 =	vld [tilespmem:s17+$0xFFFFFF70];
	v14 =	vsub.s32 v14, v0;
	v13 =	vmin.u32 v13, v3  }
0x181: {  	[tilespmem:v9+s24+$0x0] =	vst.idx.add.f32.msk $0xffff, v4;
	v9 =	vsub.s32 v15, v0;
	v14 =	vmin.u32 v14, v3  }
0x182: {  	v15 =	vsub.s32 v16, v0;
	v9 =	vmin.u32 v9, v3;
	[tilespmem:v10+s24+$0x0] =	vst.idx.add.f32.msk $0xffff, v4  }
0x183: {  	v10 =	vsub.s32 v17, v0;
	v15 =	vmin.u32 v15, v3;
	[tilespmem:v11+s24+$0x0] =	vst.idx.add.f32.msk $0xffff, v4  }
0x184: {  	v11 =	vsub.s32 v18, v0;
	v10 =	vmin.u32 v10, v3;
	[tilespmem:v12+s24+$0x0] =	vst.idx.add.f32.msk $0xffff, v4  }
0x185: {  	v12 =	vld [tilespmem:s17+$0xFFFFFF20];
	v16 =	vsub.s32 v19, v0;
	v11 =	vmin.u32 v11, v3  }
0x186: {  	v8 =	vsub.s32 v8, v0;
	v16 =	vmin.u32 v16, v3;
	[tilespmem:v14+s24+$0x0] =	vst.idx.add.f32.msk $0xffff, v4  }
0x187: {  	v7 =	vsub.s32 v7, v0;
	v8 =	vmin.u32 v8, v3;
	[tilespmem:v13+s24+$0x0] =	vst.idx.add.f32.msk $0xffff, v4  }
0x188: {  	v13 =	vsub.s32 v5, v0;
	v5 =	vmin.u32 v7, v3;
	[tilespmem:v15+s24+$0x0] =	vst.idx.add.f32.msk $0xffff, v4  }
0x189: {  	v6 =	vsub.s32 v6, v0;
	v7 =	vmin.u32 v13, v3;
	[tilespmem:v10+s24+$0x0] =	vst.idx.add.f32.msk $0xffff, v4  }
0x18a: {  	v10 =	vsub.s32 v12, v0;
	v12 =	vmin.u32 v6, v3;
	[tilespmem:v9+s24+$0x0] =	vst.idx.add.f32.msk $0xffff, v4  }
.Ltmp5:
0x18b: {  	v6 =	vmin.u32 v10, v3;
	[tilespmem:v16+s24+$0x0] =	vst.idx.add.f32.msk $0xffff, v4;
	(pc) =	sbr.rel @p0 .LBB2_12-.Ltmp5, $4  }
0x18c: {  	[tilespmem:v8+s24+$0x0] =	vst.idx.add.f32.msk $0xffff, v4  }
0x18d: {  	[tilespmem:v11+s24+$0x0] =	vst.idx.add.f32.msk $0xffff, v4  }
0x18e: {  	[tilespmem:v7+s24+$0x0] =	vst.idx.add.f32.msk $0xffff, v4  }
0x18f: {  	[tilespmem:v12+s24+$0x0] =	vst.idx.add.f32.msk $0xffff, v4  }
0x190: {  	_ =	sdelay $0x3  }
0x191: {  	[tilespmem:v6+s24+$0x0] =	vst.idx.add.f32.msk $0xffff, v4  }
0x192: {  	[tilespmem:v5+s24+$0x0] =	vst.idx.add.f32.msk $0xffff, v4  }
0x193: {  	[hbm4b:s10+s2] =	stream.linear.scatter [tilespmem:s24], [sflag:$0x3], $0x4000, $0x38;
	[tilespmem:$0x1B080] =	vst v63  }
0x194: {  	s17 =	simm.s32 $0xC000  }
0x195: {  	[hbm4b:s12+s2] =	stream.linear.scatter [tilespmem:s17], [sflag:$0x4], $0x4000, $0x38;
	[tilespmem:$0x1B080] =	vst v63  }
0x196: {  	s28 =	simm.s32 $0x10000  }
0x197: {  	[hbm4b:s13+s2] =	stream.linear.scatter [tilespmem:s28], [sflag:$0x5], $0x4000, $0x38;
	[tilespmem:$0x1B080] =	vst v63  }
0x198: {  	s29 =	simm.s32 $0x14000  }
0x199: {  	[hbm4b:s14+s2] =	stream.linear.scatter [tilespmem:s29], [sflag:$0x6], $0x4000, $0x38;
	[tilespmem:$0x1B080] =	vst v63  }
0x19a: {  	_ = 	snop  }
0x19b: {  	[tilespmem:s2], [sflag:$0x1] =	stream.linear.gather [hbm4b:s7+s2], $0x4000, $0x38;
	[tilespmem:$0x1B080] =	vst v63  }
0x19c: {  	_ =	swait.ge [sflag:s21], $0x4000  }
0x19d: {  	[sflag:s21] =	ssyncset.done $0x0  }
0x19e: {  	s17 =	simm.s32 $0x8040;
	[sflag:s21] =	ssyncadd.s32 $0xFFFFC000  }
0x19f: {  	[tilespmem:s17+$0xFFFFFFC0] =	vst v2  }
0x1a0: {  	[tilespmem:s17+$0x30] =	vst v2  }
0x1a1: {  	[tilespmem:s17+$0x20] =	vst v2  }
0x1a2: {  	[tilespmem:s17+$0x10] =	vst v2  }
0x1a3: {  	[tilespmem:s17+$0x0] =	vst v2  }
0x1a4: {  	[tilespmem:s17+$0xFFFFFFF0] =	vst v2  }
0x1a5: {  	s19 =	simm.s32 $0x0;
	[tilespmem:s17+$0xFFFFFFE0] =	vst v2  }
.LBB2_14:
0x1a6: {  	s19 =	sadd.s32 $0x8, s19;
	[tilespmem:s17+$0xFFFFFFD0] =	vst v2;
	s17 =	sadd.s32 $0x80, s17  }
0x1a7: {  	[tilespmem:s17+$0xFFFFFFC0] =	vst v2;
	p0 =	slt.u32 s19, $0x3F8  }
0x1a8: {  	[tilespmem:s17+$0x30] =	vst v2  }
.Ltmp6:
0x1a9: {  	[tilespmem:s17+$0x20] =	vst v2;
	(pc) =	sbr.rel @p0 .LBB2_14-.Ltmp6, $4  }
0x1aa: {  	[tilespmem:s17+$0x10] =	vst v2  }
0x1ab: {  	[tilespmem:s17+$0x0] =	vst v2  }
0x1ac: {  	[tilespmem:s17+$0xFFFFFFF0] =	vst v2  }
0x1ad: {  	[tilespmem:s17+$0xFFFFFFE0] =	vst v2  }
0x1ae: {  	[tilespmem:s17+$0xFFFFFFD0] =	vst v2  }
0x1af: {  	_ =	swait.ge [sflag:s30], $0x4000  }
0x1b0: {  	[sflag:s30] =	ssyncset.done $0x0  }
0x1b1: {  	s17 =	simm.s32 $0xC070;
	[sflag:s30] =	ssyncadd.s32 $0xFFFFC000  }
0x1b2: {  	[tilespmem:s17+$0xFFFFFF90] =	vst v2  }
0x1b3: {  	[tilespmem:s17+$0x0] =	vst v2  }
0x1b4: {  	[tilespmem:s17+$0xFFFFFFF0] =	vst v2  }
0x1b5: {  	[tilespmem:s17+$0xFFFFFFE0] =	vst v2  }
0x1b6: {  	[tilespmem:s17+$0xFFFFFFD0] =	vst v2  }
0x1b7: {  	[tilespmem:s17+$0xFFFFFFC0] =	vst v2  }
0x1b8: {  	s19 =	simm.s32 $0x0;
	[tilespmem:s17+$0xFFFFFFB0] =	vst v2  }
.LBB2_16:
0x1b9: {  	s19 =	sadd.s32 $0x8, s19;
	[tilespmem:s17+$0xFFFFFFA0] =	vst v2;
	s17 =	sadd.s32 $0x80, s17  }
0x1ba: {  	[tilespmem:s17+$0xFFFFFF90] =	vst v2;
	p0 =	slt.u32 s19, $0x3F8  }
0x1bb: {  	[tilespmem:s17+$0x0] =	vst v2  }
.Ltmp7:
0x1bc: {  	[tilespmem:s17+$0xFFFFFFF0] =	vst v2;
	(pc) =	sbr.rel @p0 .LBB2_16-.Ltmp7, $4  }
0x1bd: {  	[tilespmem:s17+$0xFFFFFFE0] =	vst v2  }
0x1be: {  	[tilespmem:s17+$0xFFFFFFD0] =	vst v2  }
0x1bf: {  	[tilespmem:s17+$0xFFFFFFC0] =	vst v2  }
0x1c0: {  	[tilespmem:s17+$0xFFFFFFB0] =	vst v2  }
0x1c1: {  	[tilespmem:s17+$0xFFFFFFA0] =	vst v2  }
0x1c2: {  	_ =	swait.ge [sflag:s31], $0x4000  }
0x1c3: {  	[sflag:s31] =	ssyncset.done $0x0  }
0x1c4: {  	s17 =	simm.s32 $0x10070;
	[sflag:s31] =	ssyncadd.s32 $0xFFFFC000  }
0x1c5: {  	[tilespmem:s17+$0xFFFFFF90] =	vst v2  }
0x1c6: {  	[tilespmem:s17+$0x0] =	vst v2  }
0x1c7: {  	[tilespmem:s17+$0xFFFFFFF0] =	vst v2  }
0x1c8: {  	[tilespmem:s17+$0xFFFFFFE0] =	vst v2  }
0x1c9: {  	[tilespmem:s17+$0xFFFFFFD0] =	vst v2  }
0x1ca: {  	[tilespmem:s17+$0xFFFFFFC0] =	vst v2  }
0x1cb: {  	s19 =	simm.s32 $0x0;
	[tilespmem:s17+$0xFFFFFFB0] =	vst v2  }
.LBB2_18:
0x1cc: {  	s19 =	sadd.s32 $0x8, s19;
	[tilespmem:s17+$0xFFFFFFA0] =	vst v2;
	s17 =	sadd.s32 $0x80, s17  }
0x1cd: {  	[tilespmem:s17+$0xFFFFFF90] =	vst v2;
	p0 =	slt.u32 s19, $0x3F8  }
0x1ce: {  	[tilespmem:s17+$0x0] =	vst v2  }
.Ltmp8:
0x1cf: {  	[tilespmem:s17+$0xFFFFFFF0] =	vst v2;
	(pc) =	sbr.rel @p0 .LBB2_18-.Ltmp8, $4  }
0x1d0: {  	[tilespmem:s17+$0xFFFFFFE0] =	vst v2  }
0x1d1: {  	[tilespmem:s17+$0xFFFFFFD0] =	vst v2  }
0x1d2: {  	[tilespmem:s17+$0xFFFFFFC0] =	vst v2  }
0x1d3: {  	[tilespmem:s17+$0xFFFFFFB0] =	vst v2  }
0x1d4: {  	[tilespmem:s17+$0xFFFFFFA0] =	vst v2  }
0x1d5: {  	_ =	swait.ge [sflag:s0], $0x4000  }
0x1d6: {  	[sflag:s0] =	ssyncset.done $0x0  }
0x1d7: {  	s17 =	simm.s32 $0x14070;
	[sflag:s0] =	ssyncadd.s32 $0xFFFFC000  }
0x1d8: {  	[tilespmem:s17+$0xFFFFFF90] =	vst v2  }
0x1d9: {  	[tilespmem:s17+$0x0] =	vst v2  }
0x1da: {  	[tilespmem:s17+$0xFFFFFFF0] =	vst v2  }
0x1db: {  	[tilespmem:s17+$0xFFFFFFE0] =	vst v2  }
0x1dc: {  	[tilespmem:s17+$0xFFFFFFD0] =	vst v2  }
0x1dd: {  	[tilespmem:s17+$0xFFFFFFC0] =	vst v2  }
0x1de: {  	s19 =	simm.s32 $0x0;
	[tilespmem:s17+$0xFFFFFFB0] =	vst v2  }
.LBB2_20:
0x1df: {  	s19 =	sadd.s32 $0x8, s19;
	[tilespmem:s17+$0xFFFFFFA0] =	vst v2;
	s17 =	sadd.s32 $0x80, s17  }
0x1e0: {  	[tilespmem:s17+$0xFFFFFF90] =	vst v2;
	p0 =	slt.u32 s19, $0x3F8  }
0x1e1: {  	[tilespmem:s17+$0x0] =	vst v2  }
.Ltmp9:
0x1e2: {  	[tilespmem:s17+$0xFFFFFFF0] =	vst v2;
	(pc) =	sbr.rel @p0 .LBB2_20-.Ltmp9, $4  }
0x1e3: {  	[tilespmem:s17+$0xFFFFFFE0] =	vst v2  }
0x1e4: {  	[tilespmem:s17+$0xFFFFFFD0] =	vst v2  }
0x1e5: {  	[tilespmem:s17+$0xFFFFFFC0] =	vst v2  }
0x1e6: {  	[tilespmem:s17+$0xFFFFFFB0] =	vst v2  }
0x1e7: {  	[tilespmem:s17+$0xFFFFFFA0] =	vst v2  }
0x1e8: {  	[tilespmem:s22], [sflag:$0x2] =	stream.linear.gather [hbm4b:s8+s2], $0x4000, $0x38;
	[tilespmem:$0x1B080] =	vst v63  }
0x1e9: {  	_ =	swait.ge [sflag:s23], $0x4000  }
0x1ea: {  	[sflag:s23] =	ssyncset.done $0x0  }
0x1eb: {  	s17 =	simm.s32 $0x80;
	[sflag:s23] =	ssyncadd.s32 $0xFFFFC000  }
0x1ec: {  	v5 =	vld [tilespmem:s17+$0xFFFFFFA0]  }
0x1ed: {  	v6 =	vld [tilespmem:s17+$0xFFFFFFB0]  }
0x1ee: {  	v7 =	vld [tilespmem:s17+$0xFFFFFFC0]  }
0x1ef: {  	v8 =	vld [tilespmem:s17+$0xFFFFFFD0]  }
0x1f0: {  	v9 =	vld [tilespmem:s17+$0xFFFFFF80]  }
0x1f1: {  	v10 =	vld [tilespmem:s17+$0x70]  }
0x1f2: {  	v11 =	vld [tilespmem:s17+$0x60]  }
0x1f3: {  	v12 =	vld [tilespmem:s17+$0x50]  }
0x1f4: {  	v13 =	vld [tilespmem:s17+$0x40]  }
0x1f5: {  	v14 =	vld [tilespmem:s17+$0x30]  }
0x1f6: {  	v16 =	vld [tilespmem:s17+$0x10];
	v9 =	vsub.s32 v9, v1  }
0x1f7: {  	v15 =	vld [tilespmem:s17+$0x20];
	v10 =	vsub.s32 v10, v1;
	v9 =	vmin.u32 v9, v3  }
0x1f8: {  	v19 =	vld [tilespmem:s17+$0xFFFFFFE0];
	v11 =	vsub.s32 v11, v1;
	v10 =	vmin.u32 v10, v3  }
0x1f9: {  	v17 =	vld [tilespmem:s17+$0x0];
	v12 =	vsub.s32 v12, v1;
	v11 =	vmin.u32 v11, v3  }
0x1fa: {  	v18 =	vld [tilespmem:s17+$0xFFFFFFF0];
	v14 =	vsub.s32 v14, v1;
	v12 =	vmin.u32 v12, v3  }
0x1fb: {  	v60 =	vld [tilespmem:s17+$0xFFFFFF90];
	v13 =	vsub.s32 v13, v1;
	v57 =	vsub.s32 v16, v1;
	v56 =	vmin.u32 v14, v3  }
0x1fc: {  	v59 =	vsub.s32 v15, v1;
	v13 =	vmin.u32 v13, v3;
	[tilespmem:v9+s24+$0x0] =	vst.idx.add.f32.msk $0xffff, v4  }
0x1fd: {  	v61 =	vsub.s32 v19, v1;
	v14 =	vmin.u32 v57, v3;
	[tilespmem:v10+s24+$0x0] =	vst.idx.add.f32.msk $0xffff, v4  }
0x1fe: {  	v8 =	vsub.s32 v8, v1;
	v15 =	vmin.u32 v61, v3;
	[tilespmem:v11+s24+$0x0] =	vst.idx.add.f32.msk $0xffff, v4  }
0x1ff: {  	v6 =	vsub.s32 v6, v1;
	v8 =	vmin.u32 v8, v3;
	[tilespmem:v12+s24+$0x0] =	vst.idx.add.f32.msk $0xffff, v4  }
0x200: {  	v5 =	vsub.s32 v5, v1;
	v6 =	vmin.u32 v6, v3;
	[tilespmem:v56+s24+$0x0] =	vst.idx.add.f32.msk $0xffff, v4  }
0x201: {  	v58 =	vsub.s32 v17, v1;
	v63 =	vmin.u32 v5, v3;
	[tilespmem:v13+s24+$0x0] =	vst.idx.add.f32.msk $0xffff, v4  }
0x202: {  	v62 =	vsub.s32 v18, v1;
	v10 =	vmin.u32 v58, v3;
	[tilespmem:v14+s24+$0x0] =	vst.idx.add.f32.msk $0xffff, v4  }
0x203: {  	v5 =	vsub.s32 v7, v1;
	v11 =	vmin.u32 v59, v3;
	[tilespmem:v15+s24+$0x0] =	vst.idx.add.f32.msk $0xffff, v4  }
0x204: {  	v7 =	vsub.s32 v60, v1;
	v9 =	vmin.u32 v62, v3;
	[tilespmem:v8+s24+$0x0] =	vst.idx.add.f32.msk $0xffff, v4  }
0x205: {  	[tilespmem:v6+s24+$0x0] =	vst.idx.add.f32.msk $0xffff, v4;
	v6 =	vmin.u32 v7, v3  }
0x206: {  	v5 =	vmin.u32 v5, v3;
	[tilespmem:v63+s24+$0x0] =	vst.idx.add.f32.msk $0xffff, v4  }
0x207: {  	[tilespmem:v10+s24+$0x0] =	vst.idx.add.f32.msk $0xffff, v4  }
0x208: {  	[tilespmem:v11+s24+$0x0] =	vst.idx.add.f32.msk $0xffff, v4  }
0x209: {  	s19 =	simm.s32 $0x0;
	[tilespmem:v9+s24+$0x0] =	vst.idx.add.f32.msk $0xffff, v4  }
.LBB2_22:
0x20a: {  	s19 =	sadd.s32 $0x10, s19;
	[tilespmem:v6+s24+$0x0] =	vst.idx.add.f32.msk $0xffff, v4;
	s17 =	sadd.s32 $0x100, s17  }
0x20b: {  	p0 =	slt.u32 s19, $0x3F0;
	[tilespmem:v5+s24+$0x0] =	vst.idx.add.f32.msk $0xffff, v4  }
0x20c: {  	v6 =	vld [tilespmem:s17+$0xFFFFFFA0]  }
0x20d: {  	v5 =	vld [tilespmem:s17+$0xFFFFFFB0]  }
0x20e: {  	v7 =	vld [tilespmem:s17+$0xFFFFFFC0]  }
0x20f: {  	v8 =	vld [tilespmem:s17+$0xFFFFFFD0]  }
0x210: {  	v9 =	vld [tilespmem:s17+$0xFFFFFF80]  }
0x211: {  	v10 =	vld [tilespmem:s17+$0x70]  }
0x212: {  	v11 =	vld [tilespmem:s17+$0x60]  }
0x213: {  	v12 =	vld [tilespmem:s17+$0x50]  }
0x214: {  	v13 =	vld [tilespmem:s17+$0x40]  }
0x215: {  	v9 =	vsub.s32 v9, v1;
	v14 =	vld [tilespmem:s17+$0x30]  }
0x216: {  	v9 =	vmin.u32 v9, v3;
	v15 =	vld [tilespmem:s17+$0x20];
	v10 =	vsub.s32 v10, v1  }
0x217: {  	v16 =	vld [tilespmem:s17+$0x10];
	v11 =	vsub.s32 v11, v1;
	v10 =	vmin.u32 v10, v3  }
0x218: {  	v17 =	vld [tilespmem:s17+$0x0];
	v12 =	vsub.s32 v12, v1;
	v11 =	vmin.u32 v11, v3  }
0x219: {  	v18 =	vld [tilespmem:s17+$0xFFFFFFF0];
	v13 =	vsub.s32 v13, v1;
	v12 =	vmin.u32 v12, v3  }
0x21a: {  	v19 =	vld [tilespmem:s17+$0xFFFFFFE0];
	v14 =	vsub.s32 v14, v1;
	v13 =	vmin.u32 v13, v3  }
0x21b: {  	[tilespmem:v9+s24+$0x0] =	vst.idx.add.f32.msk $0xffff, v4;
	v9 =	vsub.s32 v15, v1;
	v14 =	vmin.u32 v14, v3  }
0x21c: {  	v15 =	vsub.s32 v16, v1;
	v9 =	vmin.u32 v9, v3;
	[tilespmem:v10+s24+$0x0] =	vst.idx.add.f32.msk $0xffff, v4  }
0x21d: {  	v10 =	vsub.s32 v17, v1;
	v15 =	vmin.u32 v15, v3;
	[tilespmem:v11+s24+$0x0] =	vst.idx.add.f32.msk $0xffff, v4  }
0x21e: {  	v11 =	vsub.s32 v18, v1;
	v10 =	vmin.u32 v10, v3;
	[tilespmem:v12+s24+$0x0] =	vst.idx.add.f32.msk $0xffff, v4  }
0x21f: {  	v12 =	vld [tilespmem:s17+$0xFFFFFF90];
	v16 =	vsub.s32 v19, v1;
	v11 =	vmin.u32 v11, v3  }
0x220: {  	v8 =	vsub.s32 v8, v1;
	v16 =	vmin.u32 v16, v3;
	[tilespmem:v14+s24+$0x0] =	vst.idx.add.f32.msk $0xffff, v4  }
0x221: {  	v7 =	vsub.s32 v7, v1;
	v8 =	vmin.u32 v8, v3;
	[tilespmem:v13+s24+$0x0] =	vst.idx.add.f32.msk $0xffff, v4  }
0x222: {  	v13 =	vsub.s32 v5, v1;
	v5 =	vmin.u32 v7, v3;
	[tilespmem:v15+s24+$0x0] =	vst.idx.add.f32.msk $0xffff, v4  }
0x223: {  	v6 =	vsub.s32 v6, v1;
	v7 =	vmin.u32 v13, v3;
	[tilespmem:v10+s24+$0x0] =	vst.idx.add.f32.msk $0xffff, v4  }
0x224: {  	v10 =	vsub.s32 v12, v1;
	v12 =	vmin.u32 v6, v3;
	[tilespmem:v9+s24+$0x0] =	vst.idx.add.f32.msk $0xffff, v4  }
.Ltmp10:
0x225: {  	v6 =	vmin.u32 v10, v3;
	[tilespmem:v16+s24+$0x0] =	vst.idx.add.f32.msk $0xffff, v4;
	(pc) =	sbr.rel @p0 .LBB2_22-.Ltmp10, $4  }
0x226: {  	[tilespmem:v8+s24+$0x0] =	vst.idx.add.f32.msk $0xffff, v4  }
0x227: {  	[tilespmem:v11+s24+$0x0] =	vst.idx.add.f32.msk $0xffff, v4  }
0x228: {  	[tilespmem:v7+s24+$0x0] =	vst.idx.add.f32.msk $0xffff, v4  }
0x229: {  	[tilespmem:v12+s24+$0x0] =	vst.idx.add.f32.msk $0xffff, v4  }
0x22a: {  	_ =	sdelay $0x3  }
0x22b: {  	[tilespmem:v6+s24+$0x0] =	vst.idx.add.f32.msk $0xffff, v4  }
0x22c: {  	[tilespmem:v5+s24+$0x0] =	vst.idx.add.f32.msk $0xffff, v4  }
0x22d: {  	[tilespmem:s2], [sflag:$0x1] =	stream.linear.gather [hbm4b:s9+s2], $0x4000, $0x38;
	[tilespmem:$0x1B080] =	vst v63  }
0x22e: {  	_ =	swait.ge [sflag:s25], $0x4000  }
0x22f: {  	[sflag:s25] =	ssyncset.done $0x0  }
0x230: {  	s17 =	simm.s32 $0x40F0;
	[sflag:s25] =	ssyncadd.s32 $0xFFFFC000  }
0x231: {  	v5 =	vld [tilespmem:s17+$0xFFFFFF30]  }
0x232: {  	v6 =	vld [tilespmem:s17+$0xFFFFFF40]  }
0x233: {  	v7 =	vld [tilespmem:s17+$0xFFFFFF50]  }
0x234: {  	v8 =	vld [tilespmem:s17+$0xFFFFFF60]  }
0x235: {  	v9 =	vld [tilespmem:s17+$0xFFFFFF10]  }
0x236: {  	v10 =	vld [tilespmem:s17+$0x0]  }
0x237: {  	v11 =	vld [tilespmem:s17+$0xFFFFFFF0]  }
0x238: {  	v12 =	vld [tilespmem:s17+$0xFFFFFFE0]  }
0x239: {  	v13 =	vld [tilespmem:s17+$0xFFFFFFD0]  }
0x23a: {  	v14 =	vld [tilespmem:s17+$0xFFFFFFC0]  }
0x23b: {  	v16 =	vld [tilespmem:s17+$0xFFFFFFA0];
	v9 =	vsub.s32 v9, v1  }
0x23c: {  	v15 =	vld [tilespmem:s17+$0xFFFFFFB0];
	v10 =	vsub.s32 v10, v1;
	v9 =	vmin.u32 v9, v3  }
0x23d: {  	v19 =	vld [tilespmem:s17+$0xFFFFFF70];
	v11 =	vsub.s32 v11, v1;
	v10 =	vmin.u32 v10, v3  }
0x23e: {  	v17 =	vld [tilespmem:s17+$0xFFFFFF90];
	v12 =	vsub.s32 v12, v1;
	v11 =	vmin.u32 v11, v3  }
0x23f: {  	v18 =	vld [tilespmem:s17+$0xFFFFFF80];
	v14 =	vsub.s32 v14, v1;
	v12 =	vmin.u32 v12, v3  }
0x240: {  	v60 =	vld [tilespmem:s17+$0xFFFFFF20];
	v13 =	vsub.s32 v13, v1;
	v57 =	vsub.s32 v16, v1;
	v56 =	vmin.u32 v14, v3  }
0x241: {  	v59 =	vsub.s32 v15, v1;
	v13 =	vmin.u32 v13, v3;
	[tilespmem:v9+s24+$0x0] =	vst.idx.add.f32.msk $0xffff, v4  }
0x242: {  	v61 =	vsub.s32 v19, v1;
	v14 =	vmin.u32 v57, v3;
	[tilespmem:v10+s24+$0x0] =	vst.idx.add.f32.msk $0xffff, v4  }
0x243: {  	v8 =	vsub.s32 v8, v1;
	v15 =	vmin.u32 v61, v3;
	[tilespmem:v11+s24+$0x0] =	vst.idx.add.f32.msk $0xffff, v4  }
0x244: {  	v6 =	vsub.s32 v6, v1;
	v8 =	vmin.u32 v8, v3;
	[tilespmem:v12+s24+$0x0] =	vst.idx.add.f32.msk $0xffff, v4  }
0x245: {  	v5 =	vsub.s32 v5, v1;
	v6 =	vmin.u32 v6, v3;
	[tilespmem:v56+s24+$0x0] =	vst.idx.add.f32.msk $0xffff, v4  }
0x246: {  	v58 =	vsub.s32 v17, v1;
	v63 =	vmin.u32 v5, v3;
	[tilespmem:v13+s24+$0x0] =	vst.idx.add.f32.msk $0xffff, v4  }
0x247: {  	v62 =	vsub.s32 v18, v1;
	v10 =	vmin.u32 v58, v3;
	[tilespmem:v14+s24+$0x0] =	vst.idx.add.f32.msk $0xffff, v4  }
0x248: {  	v5 =	vsub.s32 v7, v1;
	v11 =	vmin.u32 v59, v3;
	[tilespmem:v15+s24+$0x0] =	vst.idx.add.f32.msk $0xffff, v4  }
0x249: {  	v7 =	vsub.s32 v60, v1;
	v9 =	vmin.u32 v62, v3;
	[tilespmem:v8+s24+$0x0] =	vst.idx.add.f32.msk $0xffff, v4  }
0x24a: {  	[tilespmem:v6+s24+$0x0] =	vst.idx.add.f32.msk $0xffff, v4;
	v6 =	vmin.u32 v7, v3  }
0x24b: {  	v5 =	vmin.u32 v5, v3;
	[tilespmem:v63+s24+$0x0] =	vst.idx.add.f32.msk $0xffff, v4  }
0x24c: {  	[tilespmem:v10+s24+$0x0] =	vst.idx.add.f32.msk $0xffff, v4  }
0x24d: {  	[tilespmem:v11+s24+$0x0] =	vst.idx.add.f32.msk $0xffff, v4  }
0x24e: {  	s19 =	simm.s32 $0x0;
	[tilespmem:v9+s24+$0x0] =	vst.idx.add.f32.msk $0xffff, v4  }
.LBB2_24:
0x24f: {  	s19 =	sadd.s32 $0x10, s19;
	[tilespmem:v6+s24+$0x0] =	vst.idx.add.f32.msk $0xffff, v4;
	s17 =	sadd.s32 $0x100, s17  }
0x250: {  	p0 =	slt.u32 s19, $0x3F0;
	[tilespmem:v5+s24+$0x0] =	vst.idx.add.f32.msk $0xffff, v4  }
0x251: {  	v6 =	vld [tilespmem:s17+$0xFFFFFF30]  }
0x252: {  	v5 =	vld [tilespmem:s17+$0xFFFFFF40]  }
0x253: {  	v7 =	vld [tilespmem:s17+$0xFFFFFF50]  }
0x254: {  	v8 =	vld [tilespmem:s17+$0xFFFFFF60]  }
0x255: {  	v9 =	vld [tilespmem:s17+$0xFFFFFF10]  }
0x256: {  	v10 =	vld [tilespmem:s17+$0x0]  }
0x257: {  	v11 =	vld [tilespmem:s17+$0xFFFFFFF0]  }
0x258: {  	v12 =	vld [tilespmem:s17+$0xFFFFFFE0]  }
0x259: {  	v13 =	vld [tilespmem:s17+$0xFFFFFFD0]  }
0x25a: {  	v9 =	vsub.s32 v9, v1;
	v14 =	vld [tilespmem:s17+$0xFFFFFFC0]  }
0x25b: {  	v9 =	vmin.u32 v9, v3;
	v15 =	vld [tilespmem:s17+$0xFFFFFFB0];
	v10 =	vsub.s32 v10, v1  }
0x25c: {  	v16 =	vld [tilespmem:s17+$0xFFFFFFA0];
	v11 =	vsub.s32 v11, v1;
	v10 =	vmin.u32 v10, v3  }
0x25d: {  	v17 =	vld [tilespmem:s17+$0xFFFFFF90];
	v12 =	vsub.s32 v12, v1;
	v11 =	vmin.u32 v11, v3  }
0x25e: {  	v18 =	vld [tilespmem:s17+$0xFFFFFF80];
	v13 =	vsub.s32 v13, v1;
	v12 =	vmin.u32 v12, v3  }
0x25f: {  	v19 =	vld [tilespmem:s17+$0xFFFFFF70];
	v14 =	vsub.s32 v14, v1;
	v13 =	vmin.u32 v13, v3  }
0x260: {  	[tilespmem:v9+s24+$0x0] =	vst.idx.add.f32.msk $0xffff, v4;
	v9 =	vsub.s32 v15, v1;
	v14 =	vmin.u32 v14, v3  }
0x261: {  	v15 =	vsub.s32 v16, v1;
	v9 =	vmin.u32 v9, v3;
	[tilespmem:v10+s24+$0x0] =	vst.idx.add.f32.msk $0xffff, v4  }
0x262: {  	v10 =	vsub.s32 v17, v1;
	v15 =	vmin.u32 v15, v3;
	[tilespmem:v11+s24+$0x0] =	vst.idx.add.f32.msk $0xffff, v4  }
0x263: {  	v11 =	vsub.s32 v18, v1;
	v10 =	vmin.u32 v10, v3;
	[tilespmem:v12+s24+$0x0] =	vst.idx.add.f32.msk $0xffff, v4  }
0x264: {  	v12 =	vld [tilespmem:s17+$0xFFFFFF20];
	v16 =	vsub.s32 v19, v1;
	v11 =	vmin.u32 v11, v3  }
0x265: {  	v8 =	vsub.s32 v8, v1;
	v16 =	vmin.u32 v16, v3;
	[tilespmem:v14+s24+$0x0] =	vst.idx.add.f32.msk $0xffff, v4  }
0x266: {  	v7 =	vsub.s32 v7, v1;
	v8 =	vmin.u32 v8, v3;
	[tilespmem:v13+s24+$0x0] =	vst.idx.add.f32.msk $0xffff, v4  }
0x267: {  	v13 =	vsub.s32 v5, v1;
	v5 =	vmin.u32 v7, v3;
	[tilespmem:v15+s24+$0x0] =	vst.idx.add.f32.msk $0xffff, v4  }
0x268: {  	v6 =	vsub.s32 v6, v1;
	v7 =	vmin.u32 v13, v3;
	[tilespmem:v10+s24+$0x0] =	vst.idx.add.f32.msk $0xffff, v4  }
0x269: {  	v10 =	vsub.s32 v12, v1;
	v12 =	vmin.u32 v6, v3;
	[tilespmem:v9+s24+$0x0] =	vst.idx.add.f32.msk $0xffff, v4  }
.Ltmp11:
0x26a: {  	v6 =	vmin.u32 v10, v3;
	[tilespmem:v16+s24+$0x0] =	vst.idx.add.f32.msk $0xffff, v4;
	(pc) =	sbr.rel @p0 .LBB2_24-.Ltmp11, $4  }
0x26b: {  	[tilespmem:v8+s24+$0x0] =	vst.idx.add.f32.msk $0xffff, v4  }
0x26c: {  	[tilespmem:v11+s24+$0x0] =	vst.idx.add.f32.msk $0xffff, v4  }
0x26d: {  	[tilespmem:v7+s24+$0x0] =	vst.idx.add.f32.msk $0xffff, v4  }
0x26e: {  	[tilespmem:v12+s24+$0x0] =	vst.idx.add.f32.msk $0xffff, v4  }
0x26f: {  	_ =	sdelay $0x3  }
0x270: {  	[tilespmem:v6+s24+$0x0] =	vst.idx.add.f32.msk $0xffff, v4  }
0x271: {  	[tilespmem:v5+s24+$0x0] =	vst.idx.add.f32.msk $0xffff, v4  }
0x272: {  	[tilespmem:s22], [sflag:$0x2] =	stream.linear.gather [hbm4b:s11+s2], $0x4000, $0x38;
	[tilespmem:$0x1B080] =	vst v63  }
0x273: {  	_ =	swait.ge [sflag:s23], $0x4000  }
0x274: {  	[sflag:s23] =	ssyncset.done $0x0  }
0x275: {  	s17 =	simm.s32 $0x80;
	[sflag:s23] =	ssyncadd.s32 $0xFFFFC000  }
0x276: {  	v5 =	vld [tilespmem:s17+$0xFFFFFFA0]  }
0x277: {  	v6 =	vld [tilespmem:s17+$0xFFFFFFB0]  }
0x278: {  	v7 =	vld [tilespmem:s17+$0xFFFFFFC0]  }
0x279: {  	v8 =	vld [tilespmem:s17+$0xFFFFFFD0]  }
0x27a: {  	v9 =	vld [tilespmem:s17+$0xFFFFFF80]  }
0x27b: {  	v10 =	vld [tilespmem:s17+$0x70]  }
0x27c: {  	v11 =	vld [tilespmem:s17+$0x60]  }
0x27d: {  	v12 =	vld [tilespmem:s17+$0x50]  }
0x27e: {  	v13 =	vld [tilespmem:s17+$0x40]  }
0x27f: {  	v14 =	vld [tilespmem:s17+$0x30]  }
0x280: {  	v16 =	vld [tilespmem:s17+$0x10];
	v9 =	vsub.s32 v9, v1  }
0x281: {  	v15 =	vld [tilespmem:s17+$0x20];
	v10 =	vsub.s32 v10, v1;
	v9 =	vmin.u32 v9, v3  }
0x282: {  	v19 =	vld [tilespmem:s17+$0xFFFFFFE0];
	v11 =	vsub.s32 v11, v1;
	v10 =	vmin.u32 v10, v3  }
0x283: {  	v17 =	vld [tilespmem:s17+$0x0];
	v12 =	vsub.s32 v12, v1;
	v11 =	vmin.u32 v11, v3  }
0x284: {  	v18 =	vld [tilespmem:s17+$0xFFFFFFF0];
	v14 =	vsub.s32 v14, v1;
	v12 =	vmin.u32 v12, v3  }
0x285: {  	v60 =	vld [tilespmem:s17+$0xFFFFFF90];
	v13 =	vsub.s32 v13, v1;
	v57 =	vsub.s32 v16, v1;
	v56 =	vmin.u32 v14, v3  }
0x286: {  	v59 =	vsub.s32 v15, v1;
	v13 =	vmin.u32 v13, v3;
	[tilespmem:v9+s24+$0x0] =	vst.idx.add.f32.msk $0xffff, v4  }
0x287: {  	v61 =	vsub.s32 v19, v1;
	v14 =	vmin.u32 v57, v3;
	[tilespmem:v10+s24+$0x0] =	vst.idx.add.f32.msk $0xffff, v4  }
0x288: {  	v8 =	vsub.s32 v8, v1;
	v15 =	vmin.u32 v61, v3;
	[tilespmem:v11+s24+$0x0] =	vst.idx.add.f32.msk $0xffff, v4  }
0x289: {  	v6 =	vsub.s32 v6, v1;
	v8 =	vmin.u32 v8, v3;
	[tilespmem:v12+s24+$0x0] =	vst.idx.add.f32.msk $0xffff, v4  }
0x28a: {  	v5 =	vsub.s32 v5, v1;
	v6 =	vmin.u32 v6, v3;
	[tilespmem:v56+s24+$0x0] =	vst.idx.add.f32.msk $0xffff, v4  }
0x28b: {  	v58 =	vsub.s32 v17, v1;
	v63 =	vmin.u32 v5, v3;
	[tilespmem:v13+s24+$0x0] =	vst.idx.add.f32.msk $0xffff, v4  }
0x28c: {  	v62 =	vsub.s32 v18, v1;
	v10 =	vmin.u32 v58, v3;
	[tilespmem:v14+s24+$0x0] =	vst.idx.add.f32.msk $0xffff, v4  }
0x28d: {  	v5 =	vsub.s32 v7, v1;
	v11 =	vmin.u32 v59, v3;
	[tilespmem:v15+s24+$0x0] =	vst.idx.add.f32.msk $0xffff, v4  }
0x28e: {  	v7 =	vsub.s32 v60, v1;
	v9 =	vmin.u32 v62, v3;
	[tilespmem:v8+s24+$0x0] =	vst.idx.add.f32.msk $0xffff, v4  }
0x28f: {  	[tilespmem:v6+s24+$0x0] =	vst.idx.add.f32.msk $0xffff, v4;
	v6 =	vmin.u32 v7, v3  }
0x290: {  	v5 =	vmin.u32 v5, v3;
	[tilespmem:v63+s24+$0x0] =	vst.idx.add.f32.msk $0xffff, v4  }
0x291: {  	[tilespmem:v10+s24+$0x0] =	vst.idx.add.f32.msk $0xffff, v4  }
0x292: {  	[tilespmem:v11+s24+$0x0] =	vst.idx.add.f32.msk $0xffff, v4  }
0x293: {  	s19 =	simm.s32 $0x0;
	[tilespmem:v9+s24+$0x0] =	vst.idx.add.f32.msk $0xffff, v4  }
.LBB2_26:
0x294: {  	s19 =	sadd.s32 $0x10, s19;
	[tilespmem:v6+s24+$0x0] =	vst.idx.add.f32.msk $0xffff, v4;
	s17 =	sadd.s32 $0x100, s17  }
0x295: {  	p0 =	slt.u32 s19, $0x3F0;
	[tilespmem:v5+s24+$0x0] =	vst.idx.add.f32.msk $0xffff, v4  }
0x296: {  	v6 =	vld [tilespmem:s17+$0xFFFFFFA0]  }
0x297: {  	v5 =	vld [tilespmem:s17+$0xFFFFFFB0]  }
0x298: {  	v7 =	vld [tilespmem:s17+$0xFFFFFFC0]  }
0x299: {  	v8 =	vld [tilespmem:s17+$0xFFFFFFD0]  }
0x29a: {  	v9 =	vld [tilespmem:s17+$0xFFFFFF80]  }
0x29b: {  	v10 =	vld [tilespmem:s17+$0x70]  }
0x29c: {  	v11 =	vld [tilespmem:s17+$0x60]  }
0x29d: {  	v12 =	vld [tilespmem:s17+$0x50]  }
0x29e: {  	v13 =	vld [tilespmem:s17+$0x40]  }
0x29f: {  	v9 =	vsub.s32 v9, v1;
	v14 =	vld [tilespmem:s17+$0x30]  }
0x2a0: {  	v9 =	vmin.u32 v9, v3;
	v15 =	vld [tilespmem:s17+$0x20];
	v10 =	vsub.s32 v10, v1  }
0x2a1: {  	v16 =	vld [tilespmem:s17+$0x10];
	v11 =	vsub.s32 v11, v1;
	v10 =	vmin.u32 v10, v3  }
0x2a2: {  	v17 =	vld [tilespmem:s17+$0x0];
	v12 =	vsub.s32 v12, v1;
	v11 =	vmin.u32 v11, v3  }
0x2a3: {  	v18 =	vld [tilespmem:s17+$0xFFFFFFF0];
	v13 =	vsub.s32 v13, v1;
	v12 =	vmin.u32 v12, v3  }
0x2a4: {  	v19 =	vld [tilespmem:s17+$0xFFFFFFE0];
	v14 =	vsub.s32 v14, v1;
	v13 =	vmin.u32 v13, v3  }
0x2a5: {  	[tilespmem:v9+s24+$0x0] =	vst.idx.add.f32.msk $0xffff, v4;
	v9 =	vsub.s32 v15, v1;
	v14 =	vmin.u32 v14, v3  }
0x2a6: {  	v15 =	vsub.s32 v16, v1;
	v9 =	vmin.u32 v9, v3;
	[tilespmem:v10+s24+$0x0] =	vst.idx.add.f32.msk $0xffff, v4  }
0x2a7: {  	v10 =	vsub.s32 v17, v1;
	v15 =	vmin.u32 v15, v3;
	[tilespmem:v11+s24+$0x0] =	vst.idx.add.f32.msk $0xffff, v4  }
0x2a8: {  	v11 =	vsub.s32 v18, v1;
	v10 =	vmin.u32 v10, v3;
	[tilespmem:v12+s24+$0x0] =	vst.idx.add.f32.msk $0xffff, v4  }
0x2a9: {  	v12 =	vld [tilespmem:s17+$0xFFFFFF90];
	v16 =	vsub.s32 v19, v1;
	v11 =	vmin.u32 v11, v3  }
0x2aa: {  	v8 =	vsub.s32 v8, v1;
	v16 =	vmin.u32 v16, v3;
	[tilespmem:v14+s24+$0x0] =	vst.idx.add.f32.msk $0xffff, v4  }
0x2ab: {  	v7 =	vsub.s32 v7, v1;
	v8 =	vmin.u32 v8, v3;
	[tilespmem:v13+s24+$0x0] =	vst.idx.add.f32.msk $0xffff, v4  }
0x2ac: {  	v13 =	vsub.s32 v5, v1;
	v5 =	vmin.u32 v7, v3;
	[tilespmem:v15+s24+$0x0] =	vst.idx.add.f32.msk $0xffff, v4  }
0x2ad: {  	v6 =	vsub.s32 v6, v1;
	v7 =	vmin.u32 v13, v3;
	[tilespmem:v10+s24+$0x0] =	vst.idx.add.f32.msk $0xffff, v4  }
0x2ae: {  	v10 =	vsub.s32 v12, v1;
	v12 =	vmin.u32 v6, v3;
	[tilespmem:v9+s24+$0x0] =	vst.idx.add.f32.msk $0xffff, v4  }
.Ltmp12:
0x2af: {  	v6 =	vmin.u32 v10, v3;
	[tilespmem:v16+s24+$0x0] =	vst.idx.add.f32.msk $0xffff, v4;
	(pc) =	sbr.rel @p0 .LBB2_26-.Ltmp12, $4  }
0x2b0: {  	[tilespmem:v8+s24+$0x0] =	vst.idx.add.f32.msk $0xffff, v4  }
0x2b1: {  	[tilespmem:v11+s24+$0x0] =	vst.idx.add.f32.msk $0xffff, v4  }
0x2b2: {  	[tilespmem:v7+s24+$0x0] =	vst.idx.add.f32.msk $0xffff, v4  }
0x2b3: {  	[tilespmem:v12+s24+$0x0] =	vst.idx.add.f32.msk $0xffff, v4  }
0x2b4: {  	_ =	sdelay $0x3  }
0x2b5: {  	[tilespmem:v6+s24+$0x0] =	vst.idx.add.f32.msk $0xffff, v4  }
0x2b6: {  	[tilespmem:v5+s24+$0x0] =	vst.idx.add.f32.msk $0xffff, v4  }
0x2b7: {  	_ =	swait.ge [sflag:s25], $0x4000  }
0x2b8: {  	[sflag:s25] =	ssyncset.done $0x0  }
0x2b9: {  	s17 =	simm.s32 $0x40F0;
	[sflag:s25] =	ssyncadd.s32 $0xFFFFC000  }
0x2ba: {  	v5 =	vld [tilespmem:s17+$0xFFFFFF30]  }
0x2bb: {  	v6 =	vld [tilespmem:s17+$0xFFFFFF40]  }
0x2bc: {  	v7 =	vld [tilespmem:s17+$0xFFFFFF50]  }
0x2bd: {  	v8 =	vld [tilespmem:s17+$0xFFFFFF60]  }
0x2be: {  	v9 =	vld [tilespmem:s17+$0xFFFFFF10]  }
0x2bf: {  	v10 =	vld [tilespmem:s17+$0x0]  }
0x2c0: {  	v11 =	vld [tilespmem:s17+$0xFFFFFFF0]  }
0x2c1: {  	v12 =	vld [tilespmem:s17+$0xFFFFFFE0]  }
0x2c2: {  	v13 =	vld [tilespmem:s17+$0xFFFFFFD0]  }
0x2c3: {  	v14 =	vld [tilespmem:s17+$0xFFFFFFC0]  }
0x2c4: {  	v16 =	vld [tilespmem:s17+$0xFFFFFFA0];
	v9 =	vsub.s32 v9, v1  }
0x2c5: {  	v15 =	vld [tilespmem:s17+$0xFFFFFFB0];
	v10 =	vsub.s32 v10, v1;
	v9 =	vmin.u32 v9, v3  }
0x2c6: {  	v19 =	vld [tilespmem:s17+$0xFFFFFF70];
	v11 =	vsub.s32 v11, v1;
	v10 =	vmin.u32 v10, v3  }
0x2c7: {  	v17 =	vld [tilespmem:s17+$0xFFFFFF90];
	v12 =	vsub.s32 v12, v1;
	v11 =	vmin.u32 v11, v3  }
0x2c8: {  	v18 =	vld [tilespmem:s17+$0xFFFFFF80];
	v14 =	vsub.s32 v14, v1;
	v12 =	vmin.u32 v12, v3  }
0x2c9: {  	v60 =	vld [tilespmem:s17+$0xFFFFFF20];
	v13 =	vsub.s32 v13, v1;
	v57 =	vsub.s32 v16, v1;
	v56 =	vmin.u32 v14, v3  }
0x2ca: {  	v59 =	vsub.s32 v15, v1;
	v13 =	vmin.u32 v13, v3;
	[tilespmem:v9+s24+$0x0] =	vst.idx.add.f32.msk $0xffff, v4  }
0x2cb: {  	v61 =	vsub.s32 v19, v1;
	v14 =	vmin.u32 v57, v3;
	[tilespmem:v10+s24+$0x0] =	vst.idx.add.f32.msk $0xffff, v4  }
0x2cc: {  	v8 =	vsub.s32 v8, v1;
	v15 =	vmin.u32 v61, v3;
	[tilespmem:v11+s24+$0x0] =	vst.idx.add.f32.msk $0xffff, v4  }
0x2cd: {  	v6 =	vsub.s32 v6, v1;
	v8 =	vmin.u32 v8, v3;
	[tilespmem:v12+s24+$0x0] =	vst.idx.add.f32.msk $0xffff, v4  }
0x2ce: {  	v5 =	vsub.s32 v5, v1;
	v6 =	vmin.u32 v6, v3;
	[tilespmem:v56+s24+$0x0] =	vst.idx.add.f32.msk $0xffff, v4  }
0x2cf: {  	v58 =	vsub.s32 v17, v1;
	v63 =	vmin.u32 v5, v3;
	[tilespmem:v13+s24+$0x0] =	vst.idx.add.f32.msk $0xffff, v4  }
0x2d0: {  	v62 =	vsub.s32 v18, v1;
	v10 =	vmin.u32 v58, v3;
	[tilespmem:v14+s24+$0x0] =	vst.idx.add.f32.msk $0xffff, v4  }
0x2d1: {  	v5 =	vsub.s32 v7, v1;
	v11 =	vmin.u32 v59, v3;
	[tilespmem:v15+s24+$0x0] =	vst.idx.add.f32.msk $0xffff, v4  }
0x2d2: {  	v7 =	vsub.s32 v60, v1;
	v9 =	vmin.u32 v62, v3;
	[tilespmem:v8+s24+$0x0] =	vst.idx.add.f32.msk $0xffff, v4  }
0x2d3: {  	[tilespmem:v6+s24+$0x0] =	vst.idx.add.f32.msk $0xffff, v4;
	v6 =	vmin.u32 v7, v3  }
0x2d4: {  	v5 =	vmin.u32 v5, v3;
	[tilespmem:v63+s24+$0x0] =	vst.idx.add.f32.msk $0xffff, v4  }
0x2d5: {  	[tilespmem:v10+s24+$0x0] =	vst.idx.add.f32.msk $0xffff, v4  }
0x2d6: {  	[tilespmem:v11+s24+$0x0] =	vst.idx.add.f32.msk $0xffff, v4  }
0x2d7: {  	s19 =	simm.s32 $0x0;
	[tilespmem:v9+s24+$0x0] =	vst.idx.add.f32.msk $0xffff, v4  }
.LBB2_28:
0x2d8: {  	s19 =	sadd.s32 $0x10, s19;
	[tilespmem:v6+s24+$0x0] =	vst.idx.add.f32.msk $0xffff, v4;
	s17 =	sadd.s32 $0x100, s17  }
0x2d9: {  	p0 =	slt.u32 s19, $0x3F0;
	[tilespmem:v5+s24+$0x0] =	vst.idx.add.f32.msk $0xffff, v4  }
0x2da: {  	v6 =	vld [tilespmem:s17+$0xFFFFFF30]  }
0x2db: {  	v5 =	vld [tilespmem:s17+$0xFFFFFF40]  }
0x2dc: {  	v7 =	vld [tilespmem:s17+$0xFFFFFF50]  }
0x2dd: {  	v8 =	vld [tilespmem:s17+$0xFFFFFF60]  }
0x2de: {  	v9 =	vld [tilespmem:s17+$0xFFFFFF10]  }
0x2df: {  	v10 =	vld [tilespmem:s17+$0x0]  }
0x2e0: {  	v11 =	vld [tilespmem:s17+$0xFFFFFFF0]  }
0x2e1: {  	v12 =	vld [tilespmem:s17+$0xFFFFFFE0]  }
0x2e2: {  	v13 =	vld [tilespmem:s17+$0xFFFFFFD0]  }
0x2e3: {  	v9 =	vsub.s32 v9, v1;
	v14 =	vld [tilespmem:s17+$0xFFFFFFC0]  }
0x2e4: {  	v9 =	vmin.u32 v9, v3;
	v15 =	vld [tilespmem:s17+$0xFFFFFFB0];
	v10 =	vsub.s32 v10, v1  }
0x2e5: {  	v16 =	vld [tilespmem:s17+$0xFFFFFFA0];
	v11 =	vsub.s32 v11, v1;
	v10 =	vmin.u32 v10, v3  }
0x2e6: {  	v17 =	vld [tilespmem:s17+$0xFFFFFF90];
	v12 =	vsub.s32 v12, v1;
	v11 =	vmin.u32 v11, v3  }
0x2e7: {  	v18 =	vld [tilespmem:s17+$0xFFFFFF80];
	v13 =	vsub.s32 v13, v1;
	v12 =	vmin.u32 v12, v3  }
0x2e8: {  	v19 =	vld [tilespmem:s17+$0xFFFFFF70];
	v14 =	vsub.s32 v14, v1;
	v13 =	vmin.u32 v13, v3  }
0x2e9: {  	[tilespmem:v9+s24+$0x0] =	vst.idx.add.f32.msk $0xffff, v4;
	v9 =	vsub.s32 v15, v1;
	v14 =	vmin.u32 v14, v3  }
0x2ea: {  	v15 =	vsub.s32 v16, v1;
	v9 =	vmin.u32 v9, v3;
	[tilespmem:v10+s24+$0x0] =	vst.idx.add.f32.msk $0xffff, v4  }
0x2eb: {  	v10 =	vsub.s32 v17, v1;
	v15 =	vmin.u32 v15, v3;
	[tilespmem:v11+s24+$0x0] =	vst.idx.add.f32.msk $0xffff, v4  }
0x2ec: {  	v11 =	vsub.s32 v18, v1;
	v10 =	vmin.u32 v10, v3;
	[tilespmem:v12+s24+$0x0] =	vst.idx.add.f32.msk $0xffff, v4  }
0x2ed: {  	v12 =	vld [tilespmem:s17+$0xFFFFFF20];
	v16 =	vsub.s32 v19, v1;
	v11 =	vmin.u32 v11, v3  }
0x2ee: {  	v8 =	vsub.s32 v8, v1;
	v16 =	vmin.u32 v16, v3;
	[tilespmem:v14+s24+$0x0] =	vst.idx.add.f32.msk $0xffff, v4  }
0x2ef: {  	v7 =	vsub.s32 v7, v1;
	v8 =	vmin.u32 v8, v3;
	[tilespmem:v13+s24+$0x0] =	vst.idx.add.f32.msk $0xffff, v4  }
0x2f0: {  	v13 =	vsub.s32 v5, v1;
	v5 =	vmin.u32 v7, v3;
	[tilespmem:v15+s24+$0x0] =	vst.idx.add.f32.msk $0xffff, v4  }
0x2f1: {  	v6 =	vsub.s32 v6, v1;
	v7 =	vmin.u32 v13, v3;
	[tilespmem:v10+s24+$0x0] =	vst.idx.add.f32.msk $0xffff, v4  }
0x2f2: {  	v10 =	vsub.s32 v12, v1;
	v12 =	vmin.u32 v6, v3;
	[tilespmem:v9+s24+$0x0] =	vst.idx.add.f32.msk $0xffff, v4  }
.Ltmp13:
0x2f3: {  	v6 =	vmin.u32 v10, v3;
	[tilespmem:v16+s24+$0x0] =	vst.idx.add.f32.msk $0xffff, v4;
	(pc) =	sbr.rel @p0 .LBB2_28-.Ltmp13, $4  }
0x2f4: {  	[tilespmem:v8+s24+$0x0] =	vst.idx.add.f32.msk $0xffff, v4  }
0x2f5: {  	[tilespmem:v11+s24+$0x0] =	vst.idx.add.f32.msk $0xffff, v4  }
0x2f6: {  	[tilespmem:v7+s24+$0x0] =	vst.idx.add.f32.msk $0xffff, v4  }
0x2f7: {  	[tilespmem:v12+s24+$0x0] =	vst.idx.add.f32.msk $0xffff, v4  }
0x2f8: {  	_ =	sdelay $0x2  }
0x2f9: {  	s1 =	sadd.s32 $0x1, s1  }
0x2fa: {  	[tilespmem:v6+s24+$0x0] =	vst.idx.add.f32.msk $0xffff, v4;
	p0 =	sne.s32 s1, s16  }
.Ltmp14:
0x2fb: {  	[tilespmem:v5+s24+$0x0] =	vst.idx.add.f32.msk $0xffff, v4;
	(pc) =	sbr.rel @p0 .LBB2_1-.Ltmp14, $4  }
0x2fc: {  	[hbm4b:s15+s2] =	stream.linear.scatter [tilespmem:s24], [sflag:$0x7], $0x10000, $0x38;
	[tilespmem:$0x1B080] =	vst v63  }
0x2fd: {  	_ =	swait.ge [sflag:s18], $0x10000  }
0x2fe: {  	[sflag:s18] =	ssyncset.done $0x0  }
0x2ff: {  	[sflag:s18] =	ssyncadd.s32 $0xFFFF0000  }
0x300: {  	_ =	sfence.sel $0x180000  }
0x301: {  	[bflag:$0x0] =	sbarrier.arrive $0xFFFF  }
0x302: {  	_ =	strace $0x90000047  }
0x303: {  	s0 =	stileid.u32;
	[bflag:$0x2] =	sbarrier.arrive $0xFFFF  }
0x304: {  	p0 =	sne.s32 s0, $0x0;
	s0 =	rddreg [dreg:$0x3]  }
0x305: {  	s0 =	sadd.s32 @!p0 $0x100000, s0  }
0x306: {  	[sflag:s0] =	ssyncadd.tile.s32 @!p0 $0x1;
	_ =	shalt  }
.Lfunc_end2:
_tile_overlayer_lowered:
.L_overlay_start_2:
0x307: {  	(tag) =	ssettag $0x2  }
0x308: {  	s0 =	rddreg [dreg:$0x0];
	s2 =	stileid.u32  }
0x309: {  	s1 =	rddreg [dreg:$0x1];
	p0 =	sne.s32 s2, $0x0  }
0x30a: {  	s3 =	rddreg [dreg:$0x2];
	[bflag:$0x3] =	sbarrier.arrive $0xFFFF;
	s2 =	simm.s32 @!p0 $0x1C07  }
0x30b: {  	[timem:s3], [sflag:s2] =	dma.local @!p0 [hbm:s0], s1  }
0x30c: {  	s0 =	simm.s32 @!p0 $0x7  }
0x30d: {  	_ =	swait.ge @!p0 [sflag:s0], s1  }
0x30e: {  	s1 =	ssub.s32 @!p0 $0x0, s1;
	[sflag:s0] =	ssyncset.done @!p0 $0x0  }
0x30f: {  	[sflag:s0] =	ssyncadd.s32 @!p0 s1  }
0x310: {  	[bflag:$0x3] =	sbarrier.arrive $0xFFFF  }
0x311: {  	_ =	shalt  }

</sc_bundles>
